<compile_context>
chip_gen: v7x
topology: tpu7x:2x2x1
jax: 0.10.2.dev20260603
libtpu: 0.0.44.dev20260713+nightly
codegen_flags: <defaults>
</compile_context>

<pallas_src>
import functools

import jax
import jax.numpy as jnp
from jax import lax
from jax.experimental import pallas as pl
from jax.experimental.pallas import tpu as pltpu
from jax.experimental.pallas import tpu_sc as plsc

D_MODEL = 64
DP = 128
T_SEQ = 200
W_T = 2048
BROWS = 2
NBUF = 2
STREAMS = [(0, 128), (128, 128), (256, 128), (384, 16)]


def _transpose_block(in_ref, out_ref):
    out_ref[:, 0:D_MODEL] = jnp.transpose(in_ref[...], (1, 0))


def _transpose(table_t):
    vocab = table_t.shape[1]
    nblk = (vocab + W_T - 1) // W_T
    return pl.pallas_call(
        _transpose_block,
        grid=(nblk,),
        in_specs=[pl.BlockSpec((D_MODEL, W_T), lambda i: (0, i))],
        out_specs=pl.BlockSpec((W_T, DP), lambda i: (i, 0)),
        out_shape=jax.ShapeDtypeStruct((vocab, DP), jnp.float32),
    )(table_t)


@functools.lru_cache(maxsize=None)
def _gather(batch):
    info = plsc.get_sparse_core_info()
    nc, ns = info.num_cores, info.num_subcores
    nw = nc * ns
    rows_w = batch // nw
    idx_w = rows_w * T_SEQ
    n_chunks = rows_w // BROWS
    outer = n_chunks // NBUF
    ch_rows = BROWS * T_SEQ

    mesh = plsc.VectorSubcoreMesh(core_axis_name="c", subcore_axis_name="s")

    @functools.partial(
        pl.kernel,
        mesh=mesh,
        out_type=jax.ShapeDtypeStruct((batch * T_SEQ, D_MODEL), jnp.float32),
        scratch_types=[
            pltpu.VMEM((idx_w,), jnp.int32),
            pltpu.VMEM((NBUF, ch_rows, DP), jnp.float32),
            pltpu.SemaphoreType.DMA,
        ],
        compiler_params=pltpu.CompilerParams(use_tc_tiling_on_sc=False),
    )
    def gather_kernel(idx_hbm, tp_hbm, out_hbm, idx_v, rows_v, sem):
        wid = lax.axis_index("s") * nc + lax.axis_index("c")
        base_row = wid * idx_w
        pltpu.sync_copy(idx_hbm.at[pl.ds(base_row, idx_w)], idx_v)

        def fire(b, chunk):
            for off, sz in STREAMS:
                pltpu.async_copy(
                    tp_hbm.at[idx_v.at[pl.ds(chunk * ch_rows + off, sz)]],
                    rows_v.at[b, pl.ds(off, sz)], sem)

        def drain(b):
            for off, sz in STREAMS:
                pltpu.make_async_copy(
                    tp_hbm.at[idx_v.at[pl.ds(off, sz)]],
                    rows_v.at[b, pl.ds(off, sz)], sem).wait()

        def write(b, chunk):
            pltpu.sync_copy(
                rows_v.at[b, :, pl.ds(0, D_MODEL)],
                out_hbm.at[pl.ds(base_row + chunk * ch_rows, ch_rows)])

        fire(0, 0)

        def body(i, carry):
            c0 = i * NBUF
            fire(1, c0 + 1)
            drain(0)
            write(0, c0)

            @pl.when(i < outer - 1)
            def _():
                fire(0, c0 + 2)

            drain(1)
            write(1, c0 + 1)
            return carry

        lax.fori_loop(0, outer, body, 0)

    return gather_kernel


def kernel(x, table):
    b, t = x.shape
    idx = x.reshape(b * t).astype(jnp.int32)
    tp = _transpose(table.T)
    o = _gather(b)(idx, tp)
    return o.reshape(b, t, D_MODEL)

# --- scband reference (transcript-rebuilt; emitter-appended) ---
"""Pipeline reference for scband-embedder-17884243821212 (READ-ONLY COPY).

The authoritative reference and input builder live on the scoring server;
editing this copy changes nothing except your own understanding.
"""

import jax, jax.numpy as jnp
import numpy as np

VOCAB = 1000000
D_MODEL = 64
B = 4096
T = 200

def setup_inputs(seed: int = 0) -> dict:
    key = jax.random.key(seed)
    k_idx, k_tab = jax.random.split(key)
    x = jax.random.randint(k_idx, (B, T), 0, VOCAB, dtype=jnp.int64)
    # nn.Embedding default init: N(0, 1)
    table = jax.random.normal(k_tab, (VOCAB, D_MODEL), dtype=jnp.float32)
    return {"x": x, "table": table}

def reference(x, table):
    # Embedder.forward with EmbedderType.TOKEN: embedding lookup
    # token_embedding(x.long()) -> table[x]
    idx = x.astype(jnp.int64)
    out = jnp.take(table, idx, axis=0)  # (B, T, D_MODEL)
    return out

if __name__ == "__main__":
    import jax
    _d = setup_inputs()
    print(jax.jit(kernel)(*tuple(_d.values())))

</pallas_src>

<mosaic_0001>
#map = affine_map<(d0, d1) -> (0)>
#map1 = affine_map<(d0, d1) -> (0, 0)>
module attributes {stable_mosaic.version = 14 : i64} {
  func.func @gather_kernel(%arg0: i32, %arg1: i32, %arg2: memref<819200xi32, #tpu.memory_space<hbm>>, %arg3: memref<1000000x128xf32, #tpu.memory_space<hbm>>, %arg4: memref<819200x64xf32, #tpu.memory_space<hbm>>, %arg5: memref<25600xi32, #tpu.memory_space<vmem>>, %arg6: memref<2x400x128xf32, #tpu.memory_space<vmem>>, %arg7: memref<!tpu.dma_semaphore, #tpu.memory_space<semaphore_mem>>) attributes {dimension_semantics = [#tpu.dimension_semantics<core_parallel>, #tpu.dimension_semantics<subcore_parallel>], iteration_bounds = array<i64: 2, 16>, scalar_prefetch = 0 : i64, scratch_operands = 3 : i64, tpu.core_type = #tpu.core_type<sc_vector_subcore>, window_params = [{transform_indices = #map}, {transform_indices = #map1}, {transform_indices = #map1}]} {
    %mul3A = arith.constant 2 : i32
    %mul3A_0 = arith.muli %arg1, %mul3A : i32
    %add3A = arith.addi %mul3A_0, %arg0 : i32
    %mul3A_1 = arith.constant 25600 : i32
    %mul3A_2 = arith.muli %add3A, %mul3A_1 : i32
    "tpu.region"() ({
      %run_scoped3A = tpu.sem_alloc : memref<!tpu.dma_semaphore, #tpu.memory_space<semaphore_mem>>
      %dma_start3A_47 = tpu.memref_slice %arg2[%mul3A_2] : memref<819200xi32, #tpu.memory_space<hbm>> -> memref<25600xi32, #tpu.memory_space<hbm>>
      %dma_start3A_48 = tpu.memref_slice %arg2[%mul3A_2] : memref<819200xi32, #tpu.memory_space<hbm>> -> memref<25600xi32, #tpu.memory_space<hbm>>
      tpu.enqueue_dma source(%dma_start3A_48 : memref<25600xi32, #tpu.memory_space<hbm>>) target(%arg5 : memref<25600xi32, #tpu.memory_space<vmem>>) target_semaphore(%run_scoped3A : memref<!tpu.dma_semaphore, #tpu.memory_space<semaphore_mem>>)
      %dma_wait3A = tpu.memref_slice %arg2[%mul3A_2] : memref<819200xi32, #tpu.memory_space<hbm>> -> memref<25600xi32, #tpu.memory_space<hbm>>
      %dma_wait3A_49 = tpu.memref_slice %arg2[%mul3A_2] : memref<819200xi32, #tpu.memory_space<hbm>> -> memref<25600xi32, #tpu.memory_space<hbm>>
      tpu.wait_dma2 semaphore(%run_scoped3A : memref<!tpu.dma_semaphore, #tpu.memory_space<semaphore_mem>>) src(%dma_wait3A_49 : memref<25600xi32, #tpu.memory_space<hbm>>) dst(%arg5 : memref<25600xi32, #tpu.memory_space<vmem>>)
      tpu.yield
    }) : () -> ()
    %dma_start3A = arith.constant 0 : i32
    %dma_start3A_3 = arith.constant 0 : i32
    %dma_start3A_4 = arith.constant 0 : i32
    %dma_start3A_5 = tpu.memref_slice %arg6[%dma_start3A, %dma_start3A_3, %dma_start3A_4] : memref<2x400x128xf32, #tpu.memory_space<vmem>> -> memref<1x128x128xf32, #tpu.memory_space<vmem>>
    %dma_start3A_6 = tpu.memref_squeeze %dma_start3A_5 : memref<1x128x128xf32, #tpu.memory_space<vmem>> -> memref<128x128xf32, #tpu.memory_space<vmem>>
    %dma_start3A_7 = arith.constant 0 : i32
    %dma_start3A_8 = tpu.memref_slice %arg5[%dma_start3A_7] : memref<25600xi32, #tpu.memory_space<vmem>> -> memref<128xi32, #tpu.memory_space<vmem>>
    %dma_start3A_9 = arith.constant 0 : i32
    %dma_start3A_10 = arith.constant 0 : i32
    %dma_start3A_11 = tpu.memref_slice %arg3[%dma_start3A_9, %dma_start3A_10] : memref<1000000x128xf32, #tpu.memory_space<hbm>> -> memref<1000000x128xf32, #tpu.memory_space<hbm>>
    tpu.enqueue_indirect_dma source(%dma_start3A_11 : memref<1000000x128xf32, #tpu.memory_space<hbm>>) target(%dma_start3A_6 : memref<128x128xf32, #tpu.memory_space<vmem>>) offsets(%dma_start3A_8 : memref<128xi32, #tpu.memory_space<vmem>>) semaphore(%arg7 : memref<!tpu.dma_semaphore, #tpu.memory_space<semaphore_mem>>)
    %dma_start3A_12 = arith.constant 0 : i32
    %dma_start3A_13 = arith.constant 128 : i32
    %dma_start3A_14 = arith.constant 0 : i32
    %dma_start3A_15 = tpu.memref_slice %arg6[%dma_start3A_12, %dma_start3A_13, %dma_start3A_14] : memref<2x400x128xf32, #tpu.memory_space<vmem>> -> memref<1x128x128xf32, #tpu.memory_space<vmem>>
    %dma_start3A_16 = tpu.memref_squeeze %dma_start3A_15 : memref<1x128x128xf32, #tpu.memory_space<vmem>> -> memref<128x128xf32, #tpu.memory_space<vmem>>
    %dma_start3A_17 = arith.constant 128 : i32
    %dma_start3A_18 = tpu.memref_slice %arg5[%dma_start3A_17] : memref<25600xi32, #tpu.memory_space<vmem>> -> memref<128xi32, #tpu.memory_space<vmem>>
    %dma_start3A_19 = arith.constant 0 : i32
    %dma_start3A_20 = arith.constant 0 : i32
    %dma_start3A_21 = tpu.memref_slice %arg3[%dma_start3A_19, %dma_start3A_20] : memref<1000000x128xf32, #tpu.memory_space<hbm>> -> memref<1000000x128xf32, #tpu.memory_space<hbm>>
    tpu.enqueue_indirect_dma source(%dma_start3A_21 : memref<1000000x128xf32, #tpu.memory_space<hbm>>) target(%dma_start3A_16 : memref<128x128xf32, #tpu.memory_space<vmem>>) offsets(%dma_start3A_18 : memref<128xi32, #tpu.memory_space<vmem>>) semaphore(%arg7 : memref<!tpu.dma_semaphore, #tpu.memory_space<semaphore_mem>>)
    %dma_start3A_22 = arith.constant 0 : i32
    %dma_start3A_23 = arith.constant 256 : i32
    %dma_start3A_24 = arith.constant 0 : i32
    %dma_start3A_25 = tpu.memref_slice %arg6[%dma_start3A_22, %dma_start3A_23, %dma_start3A_24] : memref<2x400x128xf32, #tpu.memory_space<vmem>> -> memref<1x128x128xf32, #tpu.memory_space<vmem>>
    %dma_start3A_26 = tpu.memref_squeeze %dma_start3A_25 : memref<1x128x128xf32, #tpu.memory_space<vmem>> -> memref<128x128xf32, #tpu.memory_space<vmem>>
    %dma_start3A_27 = arith.constant 256 : i32
    %dma_start3A_28 = tpu.memref_slice %arg5[%dma_start3A_27] : memref<25600xi32, #tpu.memory_space<vmem>> -> memref<128xi32, #tpu.memory_space<vmem>>
    %dma_start3A_29 = arith.constant 0 : i32
    %dma_start3A_30 = arith.constant 0 : i32
    %dma_start3A_31 = tpu.memref_slice %arg3[%dma_start3A_29, %dma_start3A_30] : memref<1000000x128xf32, #tpu.memory_space<hbm>> -> memref<1000000x128xf32, #tpu.memory_space<hbm>>
    tpu.enqueue_indirect_dma source(%dma_start3A_31 : memref<1000000x128xf32, #tpu.memory_space<hbm>>) target(%dma_start3A_26 : memref<128x128xf32, #tpu.memory_space<vmem>>) offsets(%dma_start3A_28 : memref<128xi32, #tpu.memory_space<vmem>>) semaphore(%arg7 : memref<!tpu.dma_semaphore, #tpu.memory_space<semaphore_mem>>)
    %dma_start3A_32 = arith.constant 0 : i32
    %dma_start3A_33 = arith.constant 384 : i32
    %dma_start3A_34 = arith.constant 0 : i32
    %dma_start3A_35 = tpu.memref_slice %arg6[%dma_start3A_32, %dma_start3A_33, %dma_start3A_34] : memref<2x400x128xf32, #tpu.memory_space<vmem>> -> memref<1x16x128xf32, #tpu.memory_space<vmem>>
    %dma_start3A_36 = tpu.memref_squeeze %dma_start3A_35 : memref<1x16x128xf32, #tpu.memory_space<vmem>> -> memref<16x128xf32, #tpu.memory_space<vmem>>
    %dma_start3A_37 = arith.constant 384 : i32
    %dma_start3A_38 = tpu.memref_slice %arg5[%dma_start3A_37] : memref<25600xi32, #tpu.memory_space<vmem>> -> memref<16xi32, #tpu.memory_space<vmem>>
    %dma_start3A_39 = arith.constant 0 : i32
    %dma_start3A_40 = arith.constant 0 : i32
    %dma_start3A_41 = tpu.memref_slice %arg3[%dma_start3A_39, %dma_start3A_40] : memref<1000000x128xf32, #tpu.memory_space<hbm>> -> memref<1000000x128xf32, #tpu.memory_space<hbm>>
    tpu.enqueue_indirect_dma source(%dma_start3A_41 : memref<1000000x128xf32, #tpu.memory_space<hbm>>) target(%dma_start3A_36 : memref<16x128xf32, #tpu.memory_space<vmem>>) offsets(%dma_start3A_38 : memref<16xi32, #tpu.memory_space<vmem>>) semaphore(%arg7 : memref<!tpu.dma_semaphore, #tpu.memory_space<semaphore_mem>>)
    %scan3A = arith.constant 0 : i32
    %scan3A_42 = arith.constant 0 : i32
    %scan3A_43 = arith.constant 32 : i32
    %scan3A_44 = arith.addi %scan3A_42, %scan3A_43 : i32
    %scan3A_45 = arith.constant 1 : i32
    scf.for %scan3A_47 = %scan3A_42 to %scan3A_44 step %scan3A_45  : i32 {
      %mul3A_48 = arith.constant 2 : i32
      %mul3A_49 = arith.muli %scan3A_47, %mul3A_48 : i32
      %add3A_50 = arith.constant 1 : i32
      %add3A_51 = arith.addi %mul3A_49, %add3A_50 : i32
      %mul3A_52 = arith.constant 400 : i32
      %mul3A_53 = arith.muli %add3A_51, %mul3A_52 : i32
      %add3A_54 = arith.constant 0 : i32
      %add3A_55 = arith.addi %mul3A_53, %add3A_54 : i32
      %dma_start3A_56 = arith.constant 1 : i32
      %dma_start3A_57 = arith.constant 0 : i32
      %dma_start3A_58 = arith.constant 0 : i32
      %dma_start3A_59 = tpu.memref_slice %arg6[%dma_start3A_56, %dma_start3A_57, %dma_start3A_58] : memref<2x400x128xf32, #tpu.memory_space<vmem>> -> memref<1x128x128xf32, #tpu.memory_space<vmem>>
      %dma_start3A_60 = tpu.memref_squeeze %dma_start3A_59 : memref<1x128x128xf32, #tpu.memory_space<vmem>> -> memref<128x128xf32, #tpu.memory_space<vmem>>
      %dma_start3A_61 = tpu.memref_slice %arg5[%add3A_55] : memref<25600xi32, #tpu.memory_space<vmem>> -> memref<128xi32, #tpu.memory_space<vmem>>
      %dma_start3A_62 = arith.constant 0 : i32
      %dma_start3A_63 = arith.constant 0 : i32
      %dma_start3A_64 = tpu.memref_slice %arg3[%dma_start3A_62, %dma_start3A_63] : memref<1000000x128xf32, #tpu.memory_space<hbm>> -> memref<1000000x128xf32, #tpu.memory_space<hbm>>
      tpu.enqueue_indirect_dma source(%dma_start3A_64 : memref<1000000x128xf32, #tpu.memory_space<hbm>>) target(%dma_start3A_60 : memref<128x128xf32, #tpu.memory_space<vmem>>) offsets(%dma_start3A_61 : memref<128xi32, #tpu.memory_space<vmem>>) semaphore(%arg7 : memref<!tpu.dma_semaphore, #tpu.memory_space<semaphore_mem>>)
      %mul3A_65 = arith.constant 400 : i32
      %mul3A_66 = arith.muli %add3A_51, %mul3A_65 : i32
      %add3A_67 = arith.constant 128 : i32
      %add3A_68 = arith.addi %mul3A_66, %add3A_67 : i32
      %dma_start3A_69 = arith.constant 1 : i32
      %dma_start3A_70 = arith.constant 128 : i32
      %dma_start3A_71 = arith.constant 0 : i32
      %dma_start3A_72 = tpu.memref_slice %arg6[%dma_start3A_69, %dma_start3A_70, %dma_start3A_71] : memref<2x400x128xf32, #tpu.memory_space<vmem>> -> memref<1x128x128xf32, #tpu.memory_space<vmem>>
      %dma_start3A_73 = tpu.memref_squeeze %dma_start3A_72 : memref<1x128x128xf32, #tpu.memory_space<vmem>> -> memref<128x128xf32, #tpu.memory_space<vmem>>
      %dma_start3A_74 = tpu.memref_slice %arg5[%add3A_68] : memref<25600xi32, #tpu.memory_space<vmem>> -> memref<128xi32, #tpu.memory_space<vmem>>
      %dma_start3A_75 = arith.constant 0 : i32
      %dma_start3A_76 = arith.constant 0 : i32
      %dma_start3A_77 = tpu.memref_slice %arg3[%dma_start3A_75, %dma_start3A_76] : memref<1000000x128xf32, #tpu.memory_space<hbm>> -> memref<1000000x128xf32, #tpu.memory_space<hbm>>
      tpu.enqueue_indirect_dma source(%dma_start3A_77 : memref<1000000x128xf32, #tpu.memory_space<hbm>>) target(%dma_start3A_73 : memref<128x128xf32, #tpu.memory_space<vmem>>) offsets(%dma_start3A_74 : memref<128xi32, #tpu.memory_space<vmem>>) semaphore(%arg7 : memref<!tpu.dma_semaphore, #tpu.memory_space<semaphore_mem>>)
      %mul3A_78 = arith.constant 400 : i32
      %mul3A_79 = arith.muli %add3A_51, %mul3A_78 : i32
      %add3A_80 = arith.constant 256 : i32
      %add3A_81 = arith.addi %mul3A_79, %add3A_80 : i32
      %dma_start3A_82 = arith.constant 1 : i32
      %dma_start3A_83 = arith.constant 256 : i32
      %dma_start3A_84 = arith.constant 0 : i32
      %dma_start3A_85 = tpu.memref_slice %arg6[%dma_start3A_82, %dma_start3A_83, %dma_start3A_84] : memref<2x400x128xf32, #tpu.memory_space<vmem>> -> memref<1x128x128xf32, #tpu.memory_space<vmem>>
      %dma_start3A_86 = tpu.memref_squeeze %dma_start3A_85 : memref<1x128x128xf32, #tpu.memory_space<vmem>> -> memref<128x128xf32, #tpu.memory_space<vmem>>
      %dma_start3A_87 = tpu.memref_slice %arg5[%add3A_81] : memref<25600xi32, #tpu.memory_space<vmem>> -> memref<128xi32, #tpu.memory_space<vmem>>
      %dma_start3A_88 = arith.constant 0 : i32
      %dma_start3A_89 = arith.constant 0 : i32
      %dma_start3A_90 = tpu.memref_slice %arg3[%dma_start3A_88, %dma_start3A_89] : memref<1000000x128xf32, #tpu.memory_space<hbm>> -> memref<1000000x128xf32, #tpu.memory_space<hbm>>
      tpu.enqueue_indirect_dma source(%dma_start3A_90 : memref<1000000x128xf32, #tpu.memory_space<hbm>>) target(%dma_start3A_86 : memref<128x128xf32, #tpu.memory_space<vmem>>) offsets(%dma_start3A_87 : memref<128xi32, #tpu.memory_space<vmem>>) semaphore(%arg7 : memref<!tpu.dma_semaphore, #tpu.memory_space<semaphore_mem>>)
      %mul3A_91 = arith.constant 400 : i32
      %mul3A_92 = arith.muli %add3A_51, %mul3A_91 : i32
      %add3A_93 = arith.constant 384 : i32
      %add3A_94 = arith.addi %mul3A_92, %add3A_93 : i32
      %dma_start3A_95 = arith.constant 1 : i32
      %dma_start3A_96 = arith.constant 384 : i32
      %dma_start3A_97 = arith.constant 0 : i32
      %dma_start3A_98 = tpu.memref_slice %arg6[%dma_start3A_95, %dma_start3A_96, %dma_start3A_97] : memref<2x400x128xf32, #tpu.memory_space<vmem>> -> memref<1x16x128xf32, #tpu.memory_space<vmem>>
      %dma_start3A_99 = tpu.memref_squeeze %dma_start3A_98 : memref<1x16x128xf32, #tpu.memory_space<vmem>> -> memref<16x128xf32, #tpu.memory_space<vmem>>
      %dma_start3A_100 = tpu.memref_slice %arg5[%add3A_94] : memref<25600xi32, #tpu.memory_space<vmem>> -> memref<16xi32, #tpu.memory_space<vmem>>
      %dma_start3A_101 = arith.constant 0 : i32
      %dma_start3A_102 = arith.constant 0 : i32
      %dma_start3A_103 = tpu.memref_slice %arg3[%dma_start3A_101, %dma_start3A_102] : memref<1000000x128xf32, #tpu.memory_space<hbm>> -> memref<1000000x128xf32, #tpu.memory_space<hbm>>
      tpu.enqueue_indirect_dma source(%dma_start3A_103 : memref<1000000x128xf32, #tpu.memory_space<hbm>>) target(%dma_start3A_99 : memref<16x128xf32, #tpu.memory_space<vmem>>) offsets(%dma_start3A_100 : memref<16xi32, #tpu.memory_space<vmem>>) semaphore(%arg7 : memref<!tpu.dma_semaphore, #tpu.memory_space<semaphore_mem>>)
      %dma_wait3A = arith.constant 0 : i32
      %dma_wait3A_104 = arith.constant 0 : i32
      %dma_wait3A_105 = arith.constant 0 : i32
      %dma_wait3A_106 = tpu.memref_slice %arg6[%dma_wait3A, %dma_wait3A_104, %dma_wait3A_105] : memref<2x400x128xf32, #tpu.memory_space<vmem>> -> memref<1x128x128xf32, #tpu.memory_space<vmem>>
      %dma_wait3A_107 = tpu.memref_squeeze %dma_wait3A_106 : memref<1x128x128xf32, #tpu.memory_space<vmem>> -> memref<128x128xf32, #tpu.memory_space<vmem>>
      %dma_wait3A_108 = arith.constant 0 : i32
      %dma_wait3A_109 = tpu.memref_slice %arg5[%dma_wait3A_108] : memref<25600xi32, #tpu.memory_space<vmem>> -> memref<128xi32, #tpu.memory_space<vmem>>
      %dma_wait3A_110 = arith.constant 0 : i32
      %dma_wait3A_111 = arith.constant 0 : i32
      %dma_wait3A_112 = tpu.memref_slice %arg3[%dma_wait3A_110, %dma_wait3A_111] : memref<1000000x128xf32, #tpu.memory_space<hbm>> -> memref<1000000x128xf32, #tpu.memory_space<hbm>>
      tpu.wait_indirect_dma semaphore(%arg7 : memref<!tpu.dma_semaphore, #tpu.memory_space<semaphore_mem>>) src(%dma_wait3A_112 : memref<1000000x128xf32, #tpu.memory_space<hbm>>) dst(%dma_wait3A_107 : memref<128x128xf32, #tpu.memory_space<vmem>>)
      %dma_wait3A_113 = arith.constant 0 : i32
      %dma_wait3A_114 = arith.constant 128 : i32
      %dma_wait3A_115 = arith.constant 0 : i32
      %dma_wait3A_116 = tpu.memref_slice %arg6[%dma_wait3A_113, %dma_wait3A_114, %dma_wait3A_115] : memref<2x400x128xf32, #tpu.memory_space<vmem>> -> memref<1x128x128xf32, #tpu.memory_space<vmem>>
      %dma_wait3A_117 = tpu.memref_squeeze %dma_wait3A_116 : memref<1x128x128xf32, #tpu.memory_space<vmem>> -> memref<128x128xf32, #tpu.memory_space<vmem>>
      %dma_wait3A_118 = arith.constant 128 : i32
      %dma_wait3A_119 = tpu.memref_slice %arg5[%dma_wait3A_118] : memref<25600xi32, #tpu.memory_space<vmem>> -> memref<128xi32, #tpu.memory_space<vmem>>
      %dma_wait3A_120 = arith.constant 0 : i32
      %dma_wait3A_121 = arith.constant 0 : i32
      %dma_wait3A_122 = tpu.memref_slice %arg3[%dma_wait3A_120, %dma_wait3A_121] : memref<1000000x128xf32, #tpu.memory_space<hbm>> -> memref<1000000x128xf32, #tpu.memory_space<hbm>>
      tpu.wait_indirect_dma semaphore(%arg7 : memref<!tpu.dma_semaphore, #tpu.memory_space<semaphore_mem>>) src(%dma_wait3A_122 : memref<1000000x128xf32, #tpu.memory_space<hbm>>) dst(%dma_wait3A_117 : memref<128x128xf32, #tpu.memory_space<vmem>>)
      %dma_wait3A_123 = arith.constant 0 : i32
      %dma_wait3A_124 = arith.constant 256 : i32
      %dma_wait3A_125 = arith.constant 0 : i32
      %dma_wait3A_126 = tpu.memref_slice %arg6[%dma_wait3A_123, %dma_wait3A_124, %dma_wait3A_125] : memref<2x400x128xf32, #tpu.memory_space<vmem>> -> memref<1x128x128xf32, #tpu.memory_space<vmem>>
      %dma_wait3A_127 = tpu.memref_squeeze %dma_wait3A_126 : memref<1x128x128xf32, #tpu.memory_space<vmem>> -> memref<128x128xf32, #tpu.memory_space<vmem>>
      %dma_wait3A_128 = arith.constant 256 : i32
      %dma_wait3A_129 = tpu.memref_slice %arg5[%dma_wait3A_128] : memref<25600xi32, #tpu.memory_space<vmem>> -> memref<128xi32, #tpu.memory_space<vmem>>
      %dma_wait3A_130 = arith.constant 0 : i32
      %dma_wait3A_131 = arith.constant 0 : i32
      %dma_wait3A_132 = tpu.memref_slice %arg3[%dma_wait3A_130, %dma_wait3A_131] : memref<1000000x128xf32, #tpu.memory_space<hbm>> -> memref<1000000x128xf32, #tpu.memory_space<hbm>>
      tpu.wait_indirect_dma semaphore(%arg7 : memref<!tpu.dma_semaphore, #tpu.memory_space<semaphore_mem>>) src(%dma_wait3A_132 : memref<1000000x128xf32, #tpu.memory_space<hbm>>) dst(%dma_wait3A_127 : memref<128x128xf32, #tpu.memory_space<vmem>>)
      %dma_wait3A_133 = arith.constant 0 : i32
      %dma_wait3A_134 = arith.constant 384 : i32
      %dma_wait3A_135 = arith.constant 0 : i32
      %dma_wait3A_136 = tpu.memref_slice %arg6[%dma_wait3A_133, %dma_wait3A_134, %dma_wait3A_135] : memref<2x400x128xf32, #tpu.memory_space<vmem>> -> memref<1x16x128xf32, #tpu.memory_space<vmem>>
      %dma_wait3A_137 = tpu.memref_squeeze %dma_wait3A_136 : memref<1x16x128xf32, #tpu.memory_space<vmem>> -> memref<16x128xf32, #tpu.memory_space<vmem>>
      %dma_wait3A_138 = arith.constant 384 : i32
      %dma_wait3A_139 = tpu.memref_slice %arg5[%dma_wait3A_138] : memref<25600xi32, #tpu.memory_space<vmem>> -> memref<16xi32, #tpu.memory_space<vmem>>
      %dma_wait3A_140 = arith.constant 0 : i32
      %dma_wait3A_141 = arith.constant 0 : i32
      %dma_wait3A_142 = tpu.memref_slice %arg3[%dma_wait3A_140, %dma_wait3A_141] : memref<1000000x128xf32, #tpu.memory_space<hbm>> -> memref<1000000x128xf32, #tpu.memory_space<hbm>>
      tpu.wait_indirect_dma semaphore(%arg7 : memref<!tpu.dma_semaphore, #tpu.memory_space<semaphore_mem>>) src(%dma_wait3A_142 : memref<1000000x128xf32, #tpu.memory_space<hbm>>) dst(%dma_wait3A_137 : memref<16x128xf32, #tpu.memory_space<vmem>>)
      %mul3A_143 = arith.constant 400 : i32
      %mul3A_144 = arith.muli %mul3A_49, %mul3A_143 : i32
      %add3A_145 = arith.addi %mul3A_2, %mul3A_144 : i32
      %run_scoped3A = arith.constant 0 : i32
      "tpu.region"() ({
        %run_scoped3A_194 = tpu.sem_alloc : memref<!tpu.dma_semaphore, #tpu.memory_space<semaphore_mem>>
        %dma_start3A_195 = arith.constant 0 : i32
        %dma_start3A_196 = arith.constant 0 : i32
        %dma_start3A_197 = tpu.memref_slice %arg6[%run_scoped3A, %dma_start3A_195, %dma_start3A_196] : memref<2x400x128xf32, #tpu.memory_space<vmem>> -> memref<1x400x64xf32, #tpu.memory_space<vmem>>
        %dma_start3A_198 = tpu.memref_squeeze %dma_start3A_197 : memref<1x400x64xf32, #tpu.memory_space<vmem>> -> memref<400x64xf32, #tpu.memory_space<vmem>>
        %dma_start3A_199 = arith.constant 0 : i32
        %dma_start3A_200 = tpu.memref_slice %arg4[%add3A_145, %dma_start3A_199] : memref<819200x64xf32, #tpu.memory_space<hbm>> -> memref<400x64xf32, #tpu.memory_space<hbm>>
        %dma_start3A_201 = arith.constant 0 : i32
        %dma_start3A_202 = tpu.memref_slice %arg4[%add3A_145, %dma_start3A_201] : memref<819200x64xf32, #tpu.memory_space<hbm>> -> memref<400x64xf32, #tpu.memory_space<hbm>>
        %dma_start3A_203 = arith.constant 0 : i32
        %dma_start3A_204 = arith.constant 0 : i32
        %dma_start3A_205 = tpu.memref_slice %arg6[%run_scoped3A, %dma_start3A_203, %dma_start3A_204] : memref<2x400x128xf32, #tpu.memory_space<vmem>> -> memref<1x400x64xf32, #tpu.memory_space<vmem>>
        %dma_start3A_206 = tpu.memref_squeeze %dma_start3A_205 : memref<1x400x64xf32, #tpu.memory_space<vmem>> -> memref<400x64xf32, #tpu.memory_space<vmem>>
        tpu.enqueue_dma source(%dma_start3A_206 : memref<400x64xf32, #tpu.memory_space<vmem>>) target(%dma_start3A_202 : memref<400x64xf32, #tpu.memory_space<hbm>>) target_semaphore(%run_scoped3A_194 : memref<!tpu.dma_semaphore, #tpu.memory_space<semaphore_mem>>)
        %dma_wait3A_207 = arith.constant 0 : i32
        %dma_wait3A_208 = arith.constant 0 : i32
        %dma_wait3A_209 = tpu.memref_slice %arg6[%run_scoped3A, %dma_wait3A_207, %dma_wait3A_208] : memref<2x400x128xf32, #tpu.memory_space<vmem>> -> memref<1x400x64xf32, #tpu.memory_space<vmem>>
        %dma_wait3A_210 = tpu.memref_squeeze %dma_wait3A_209 : memref<1x400x64xf32, #tpu.memory_space<vmem>> -> memref<400x64xf32, #tpu.memory_space<vmem>>
        %dma_wait3A_211 = arith.constant 0 : i32
        %dma_wait3A_212 = tpu.memref_slice %arg4[%add3A_145, %dma_wait3A_211] : memref<819200x64xf32, #tpu.memory_space<hbm>> -> memref<400x64xf32, #tpu.memory_space<hbm>>
        %dma_wait3A_213 = arith.constant 0 : i32
        %dma_wait3A_214 = tpu.memref_slice %arg4[%add3A_145, %dma_wait3A_213] : memref<819200x64xf32, #tpu.memory_space<hbm>> -> memref<400x64xf32, #tpu.memory_space<hbm>>
        %dma_wait3A_215 = arith.constant 0 : i32
        %dma_wait3A_216 = arith.constant 0 : i32
        %dma_wait3A_217 = tpu.memref_slice %arg6[%run_scoped3A, %dma_wait3A_215, %dma_wait3A_216] : memref<2x400x128xf32, #tpu.memory_space<vmem>> -> memref<1x400x64xf32, #tpu.memory_space<vmem>>
        %dma_wait3A_218 = tpu.memref_squeeze %dma_wait3A_217 : memref<1x400x64xf32, #tpu.memory_space<vmem>> -> memref<400x64xf32, #tpu.memory_space<vmem>>
        tpu.wait_dma2 semaphore(%run_scoped3A_194 : memref<!tpu.dma_semaphore, #tpu.memory_space<semaphore_mem>>) src(%dma_wait3A_218 : memref<400x64xf32, #tpu.memory_space<vmem>>) dst(%dma_wait3A_214 : memref<400x64xf32, #tpu.memory_space<hbm>>)
        tpu.yield
      }) : () -> ()
      %lt3A = arith.constant 31 : i32
      %lt3A_146 = arith.cmpi slt, %scan3A_47, %lt3A : i32
      %convert_element_type3A = arith.extui %lt3A_146 : i1 to i32
      %cond3A = arith.constant 0 : i32
      %cond3A_147 = arith.cmpi ne, %convert_element_type3A, %cond3A : i32
      scf.if %cond3A_147 {
        %add3A_194 = arith.constant 2 : i32
        %add3A_195 = arith.addi %mul3A_49, %add3A_194 : i32
        %mul3A_196 = arith.constant 400 : i32
        %mul3A_197 = arith.muli %add3A_195, %mul3A_196 : i32
        %add3A_198 = arith.constant 0 : i32
        %add3A_199 = arith.addi %mul3A_197, %add3A_198 : i32
        %dma_start3A_200 = arith.constant 0 : i32
        %dma_start3A_201 = arith.constant 0 : i32
        %dma_start3A_202 = arith.constant 0 : i32
        %dma_start3A_203 = tpu.memref_slice %arg6[%dma_start3A_200, %dma_start3A_201, %dma_start3A_202] : memref<2x400x128xf32, #tpu.memory_space<vmem>> -> memref<1x128x128xf32, #tpu.memory_space<vmem>>
        %dma_start3A_204 = tpu.memref_squeeze %dma_start3A_203 : memref<1x128x128xf32, #tpu.memory_space<vmem>> -> memref<128x128xf32, #tpu.memory_space<vmem>>
        %dma_start3A_205 = tpu.memref_slice %arg5[%add3A_199] : memref<25600xi32, #tpu.memory_space<vmem>> -> memref<128xi32, #tpu.memory_space<vmem>>
        %dma_start3A_206 = arith.constant 0 : i32
        %dma_start3A_207 = arith.constant 0 : i32
        %dma_start3A_208 = tpu.memref_slice %arg3[%dma_start3A_206, %dma_start3A_207] : memref<1000000x128xf32, #tpu.memory_space<hbm>> -> memref<1000000x128xf32, #tpu.memory_space<hbm>>
        tpu.enqueue_indirect_dma source(%dma_start3A_208 : memref<1000000x128xf32, #tpu.memory_space<hbm>>) target(%dma_start3A_204 : memref<128x128xf32, #tpu.memory_space<vmem>>) offsets(%dma_start3A_205 : memref<128xi32, #tpu.memory_space<vmem>>) semaphore(%arg7 : memref<!tpu.dma_semaphore, #tpu.memory_space<semaphore_mem>>)
        %mul3A_209 = arith.constant 400 : i32
        %mul3A_210 = arith.muli %add3A_195, %mul3A_209 : i32
        %add3A_211 = arith.constant 128 : i32
        %add3A_212 = arith.addi %mul3A_210, %add3A_211 : i32
        %dma_start3A_213 = arith.constant 0 : i32
        %dma_start3A_214 = arith.constant 128 : i32
        %dma_start3A_215 = arith.constant 0 : i32
        %dma_start3A_216 = tpu.memref_slice %arg6[%dma_start3A_213, %dma_start3A_214, %dma_start3A_215] : memref<2x400x128xf32, #tpu.memory_space<vmem>> -> memref<1x128x128xf32, #tpu.memory_space<vmem>>
        %dma_start3A_217 = tpu.memref_squeeze %dma_start3A_216 : memref<1x128x128xf32, #tpu.memory_space<vmem>> -> memref<128x128xf32, #tpu.memory_space<vmem>>
        %dma_start3A_218 = tpu.memref_slice %arg5[%add3A_212] : memref<25600xi32, #tpu.memory_space<vmem>> -> memref<128xi32, #tpu.memory_space<vmem>>
        %dma_start3A_219 = arith.constant 0 : i32
        %dma_start3A_220 = arith.constant 0 : i32
        %dma_start3A_221 = tpu.memref_slice %arg3[%dma_start3A_219, %dma_start3A_220] : memref<1000000x128xf32, #tpu.memory_space<hbm>> -> memref<1000000x128xf32, #tpu.memory_space<hbm>>
        tpu.enqueue_indirect_dma source(%dma_start3A_221 : memref<1000000x128xf32, #tpu.memory_space<hbm>>) target(%dma_start3A_217 : memref<128x128xf32, #tpu.memory_space<vmem>>) offsets(%dma_start3A_218 : memref<128xi32, #tpu.memory_space<vmem>>) semaphore(%arg7 : memref<!tpu.dma_semaphore, #tpu.memory_space<semaphore_mem>>)
        %mul3A_222 = arith.constant 400 : i32
        %mul3A_223 = arith.muli %add3A_195, %mul3A_222 : i32
        %add3A_224 = arith.constant 256 : i32
        %add3A_225 = arith.addi %mul3A_223, %add3A_224 : i32
        %dma_start3A_226 = arith.constant 0 : i32
        %dma_start3A_227 = arith.constant 256 : i32
        %dma_start3A_228 = arith.constant 0 : i32
        %dma_start3A_229 = tpu.memref_slice %arg6[%dma_start3A_226, %dma_start3A_227, %dma_start3A_228] : memref<2x400x128xf32, #tpu.memory_space<vmem>> -> memref<1x128x128xf32, #tpu.memory_space<vmem>>
        %dma_start3A_230 = tpu.memref_squeeze %dma_start3A_229 : memref<1x128x128xf32, #tpu.memory_space<vmem>> -> memref<128x128xf32, #tpu.memory_space<vmem>>
        %dma_start3A_231 = tpu.memref_slice %arg5[%add3A_225] : memref<25600xi32, #tpu.memory_space<vmem>> -> memref<128xi32, #tpu.memory_space<vmem>>
        %dma_start3A_232 = arith.constant 0 : i32
        %dma_start3A_233 = arith.constant 0 : i32
        %dma_start3A_234 = tpu.memref_slice %arg3[%dma_start3A_232, %dma_start3A_233] : memref<1000000x128xf32, #tpu.memory_space<hbm>> -> memref<1000000x128xf32, #tpu.memory_space<hbm>>
        tpu.enqueue_indirect_dma source(%dma_start3A_234 : memref<1000000x128xf32, #tpu.memory_space<hbm>>) target(%dma_start3A_230 : memref<128x128xf32, #tpu.memory_space<vmem>>) offsets(%dma_start3A_231 : memref<128xi32, #tpu.memory_space<vmem>>) semaphore(%arg7 : memref<!tpu.dma_semaphore, #tpu.memory_space<semaphore_mem>>)
        %mul3A_235 = arith.constant 400 : i32
        %mul3A_236 = arith.muli %add3A_195, %mul3A_235 : i32
        %add3A_237 = arith.constant 384 : i32
        %add3A_238 = arith.addi %mul3A_236, %add3A_237 : i32
        %dma_start3A_239 = arith.constant 0 : i32
        %dma_start3A_240 = arith.constant 384 : i32
        %dma_start3A_241 = arith.constant 0 : i32
        %dma_start3A_242 = tpu.memref_slice %arg6[%dma_start3A_239, %dma_start3A_240, %dma_start3A_241] : memref<2x400x128xf32, #tpu.memory_space<vmem>> -> memref<1x16x128xf32, #tpu.memory_space<vmem>>
        %dma_start3A_243 = tpu.memref_squeeze %dma_start3A_242 : memref<1x16x128xf32, #tpu.memory_space<vmem>> -> memref<16x128xf32, #tpu.memory_space<vmem>>
        %dma_start3A_244 = tpu.memref_slice %arg5[%add3A_238] : memref<25600xi32, #tpu.memory_space<vmem>> -> memref<16xi32, #tpu.memory_space<vmem>>
        %dma_start3A_245 = arith.constant 0 : i32
        %dma_start3A_246 = arith.constant 0 : i32
        %dma_start3A_247 = tpu.memref_slice %arg3[%dma_start3A_245, %dma_start3A_246] : memref<1000000x128xf32, #tpu.memory_space<hbm>> -> memref<1000000x128xf32, #tpu.memory_space<hbm>>
        tpu.enqueue_indirect_dma source(%dma_start3A_247 : memref<1000000x128xf32, #tpu.memory_space<hbm>>) target(%dma_start3A_243 : memref<16x128xf32, #tpu.memory_space<vmem>>) offsets(%dma_start3A_244 : memref<16xi32, #tpu.memory_space<vmem>>) semaphore(%arg7 : memref<!tpu.dma_semaphore, #tpu.memory_space<semaphore_mem>>)
      } else {
      }
      %dma_wait3A_148 = arith.constant 1 : i32
      %dma_wait3A_149 = arith.constant 0 : i32
      %dma_wait3A_150 = arith.constant 0 : i32
      %dma_wait3A_151 = tpu.memref_slice %arg6[%dma_wait3A_148, %dma_wait3A_149, %dma_wait3A_150] : memref<2x400x128xf32, #tpu.memory_space<vmem>> -> memref<1x128x128xf32, #tpu.memory_space<vmem>>
      %dma_wait3A_152 = tpu.memref_squeeze %dma_wait3A_151 : memref<1x128x128xf32, #tpu.memory_space<vmem>> -> memref<128x128xf32, #tpu.memory_space<vmem>>
      %dma_wait3A_153 = arith.constant 0 : i32
      %dma_wait3A_154 = tpu.memref_slice %arg5[%dma_wait3A_153] : memref<25600xi32, #tpu.memory_space<vmem>> -> memref<128xi32, #tpu.memory_space<vmem>>
      %dma_wait3A_155 = arith.constant 0 : i32
      %dma_wait3A_156 = arith.constant 0 : i32
      %dma_wait3A_157 = tpu.memref_slice %arg3[%dma_wait3A_155, %dma_wait3A_156] : memref<1000000x128xf32, #tpu.memory_space<hbm>> -> memref<1000000x128xf32, #tpu.memory_space<hbm>>
      tpu.wait_indirect_dma semaphore(%arg7 : memref<!tpu.dma_semaphore, #tpu.memory_space<semaphore_mem>>) src(%dma_wait3A_157 : memref<1000000x128xf32, #tpu.memory_space<hbm>>) dst(%dma_wait3A_152 : memref<128x128xf32, #tpu.memory_space<vmem>>)
      %dma_wait3A_158 = arith.constant 1 : i32
      %dma_wait3A_159 = arith.constant 128 : i32
      %dma_wait3A_160 = arith.constant 0 : i32
      %dma_wait3A_161 = tpu.memref_slice %arg6[%dma_wait3A_158, %dma_wait3A_159, %dma_wait3A_160] : memref<2x400x128xf32, #tpu.memory_space<vmem>> -> memref<1x128x128xf32, #tpu.memory_space<vmem>>
      %dma_wait3A_162 = tpu.memref_squeeze %dma_wait3A_161 : memref<1x128x128xf32, #tpu.memory_space<vmem>> -> memref<128x128xf32, #tpu.memory_space<vmem>>
      %dma_wait3A_163 = arith.constant 128 : i32
      %dma_wait3A_164 = tpu.memref_slice %arg5[%dma_wait3A_163] : memref<25600xi32, #tpu.memory_space<vmem>> -> memref<128xi32, #tpu.memory_space<vmem>>
      %dma_wait3A_165 = arith.constant 0 : i32
      %dma_wait3A_166 = arith.constant 0 : i32
      %dma_wait3A_167 = tpu.memref_slice %arg3[%dma_wait3A_165, %dma_wait3A_166] : memref<1000000x128xf32, #tpu.memory_space<hbm>> -> memref<1000000x128xf32, #tpu.memory_space<hbm>>
      tpu.wait_indirect_dma semaphore(%arg7 : memref<!tpu.dma_semaphore, #tpu.memory_space<semaphore_mem>>) src(%dma_wait3A_167 : memref<1000000x128xf32, #tpu.memory_space<hbm>>) dst(%dma_wait3A_162 : memref<128x128xf32, #tpu.memory_space<vmem>>)
      %dma_wait3A_168 = arith.constant 1 : i32
      %dma_wait3A_169 = arith.constant 256 : i32
      %dma_wait3A_170 = arith.constant 0 : i32
      %dma_wait3A_171 = tpu.memref_slice %arg6[%dma_wait3A_168, %dma_wait3A_169, %dma_wait3A_170] : memref<2x400x128xf32, #tpu.memory_space<vmem>> -> memref<1x128x128xf32, #tpu.memory_space<vmem>>
      %dma_wait3A_172 = tpu.memref_squeeze %dma_wait3A_171 : memref<1x128x128xf32, #tpu.memory_space<vmem>> -> memref<128x128xf32, #tpu.memory_space<vmem>>
      %dma_wait3A_173 = arith.constant 256 : i32
      %dma_wait3A_174 = tpu.memref_slice %arg5[%dma_wait3A_173] : memref<25600xi32, #tpu.memory_space<vmem>> -> memref<128xi32, #tpu.memory_space<vmem>>
      %dma_wait3A_175 = arith.constant 0 : i32
      %dma_wait3A_176 = arith.constant 0 : i32
      %dma_wait3A_177 = tpu.memref_slice %arg3[%dma_wait3A_175, %dma_wait3A_176] : memref<1000000x128xf32, #tpu.memory_space<hbm>> -> memref<1000000x128xf32, #tpu.memory_space<hbm>>
      tpu.wait_indirect_dma semaphore(%arg7 : memref<!tpu.dma_semaphore, #tpu.memory_space<semaphore_mem>>) src(%dma_wait3A_177 : memref<1000000x128xf32, #tpu.memory_space<hbm>>) dst(%dma_wait3A_172 : memref<128x128xf32, #tpu.memory_space<vmem>>)
      %dma_wait3A_178 = arith.constant 1 : i32
      %dma_wait3A_179 = arith.constant 384 : i32
      %dma_wait3A_180 = arith.constant 0 : i32
      %dma_wait3A_181 = tpu.memref_slice %arg6[%dma_wait3A_178, %dma_wait3A_179, %dma_wait3A_180] : memref<2x400x128xf32, #tpu.memory_space<vmem>> -> memref<1x16x128xf32, #tpu.memory_space<vmem>>
      %dma_wait3A_182 = tpu.memref_squeeze %dma_wait3A_181 : memref<1x16x128xf32, #tpu.memory_space<vmem>> -> memref<16x128xf32, #tpu.memory_space<vmem>>
      %dma_wait3A_183 = arith.constant 384 : i32
      %dma_wait3A_184 = tpu.memref_slice %arg5[%dma_wait3A_183] : memref<25600xi32, #tpu.memory_space<vmem>> -> memref<16xi32, #tpu.memory_space<vmem>>
      %dma_wait3A_185 = arith.constant 0 : i32
      %dma_wait3A_186 = arith.constant 0 : i32
      %dma_wait3A_187 = tpu.memref_slice %arg3[%dma_wait3A_185, %dma_wait3A_186] : memref<1000000x128xf32, #tpu.memory_space<hbm>> -> memref<1000000x128xf32, #tpu.memory_space<hbm>>
      tpu.wait_indirect_dma semaphore(%arg7 : memref<!tpu.dma_semaphore, #tpu.memory_space<semaphore_mem>>) src(%dma_wait3A_187 : memref<1000000x128xf32, #tpu.memory_space<hbm>>) dst(%dma_wait3A_182 : memref<16x128xf32, #tpu.memory_space<vmem>>)
      %add3A_188 = arith.constant 1 : i32
      %add3A_189 = arith.addi %mul3A_49, %add3A_188 : i32
      %mul3A_190 = arith.constant 400 : i32
      %mul3A_191 = arith.muli %add3A_189, %mul3A_190 : i32
      %add3A_192 = arith.addi %mul3A_2, %mul3A_191 : i32
      %run_scoped3A_193 = arith.constant 1 : i32
      "tpu.region"() ({
        %run_scoped3A_194 = tpu.sem_alloc : memref<!tpu.dma_semaphore, #tpu.memory_space<semaphore_mem>>
        %dma_start3A_195 = arith.constant 0 : i32
        %dma_start3A_196 = arith.constant 0 : i32
        %dma_start3A_197 = tpu.memref_slice %arg6[%run_scoped3A_193, %dma_start3A_195, %dma_start3A_196] : memref<2x400x128xf32, #tpu.memory_space<vmem>> -> memref<1x400x64xf32, #tpu.memory_space<vmem>>
        %dma_start3A_198 = tpu.memref_squeeze %dma_start3A_197 : memref<1x400x64xf32, #tpu.memory_space<vmem>> -> memref<400x64xf32, #tpu.memory_space<vmem>>
        %dma_start3A_199 = arith.constant 0 : i32
        %dma_start3A_200 = tpu.memref_slice %arg4[%add3A_192, %dma_start3A_199] : memref<819200x64xf32, #tpu.memory_space<hbm>> -> memref<400x64xf32, #tpu.memory_space<hbm>>
        %dma_start3A_201 = arith.constant 0 : i32
        %dma_start3A_202 = tpu.memref_slice %arg4[%add3A_192, %dma_start3A_201] : memref<819200x64xf32, #tpu.memory_space<hbm>> -> memref<400x64xf32, #tpu.memory_space<hbm>>
        %dma_start3A_203 = arith.constant 0 : i32
        %dma_start3A_204 = arith.constant 0 : i32
        %dma_start3A_205 = tpu.memref_slice %arg6[%run_scoped3A_193, %dma_start3A_203, %dma_start3A_204] : memref<2x400x128xf32, #tpu.memory_space<vmem>> -> memref<1x400x64xf32, #tpu.memory_space<vmem>>
        %dma_start3A_206 = tpu.memref_squeeze %dma_start3A_205 : memref<1x400x64xf32, #tpu.memory_space<vmem>> -> memref<400x64xf32, #tpu.memory_space<vmem>>
        tpu.enqueue_dma source(%dma_start3A_206 : memref<400x64xf32, #tpu.memory_space<vmem>>) target(%dma_start3A_202 : memref<400x64xf32, #tpu.memory_space<hbm>>) target_semaphore(%run_scoped3A_194 : memref<!tpu.dma_semaphore, #tpu.memory_space<semaphore_mem>>)
        %dma_wait3A_207 = arith.constant 0 : i32
        %dma_wait3A_208 = arith.constant 0 : i32
        %dma_wait3A_209 = tpu.memref_slice %arg6[%run_scoped3A_193, %dma_wait3A_207, %dma_wait3A_208] : memref<2x400x128xf32, #tpu.memory_space<vmem>> -> memref<1x400x64xf32, #tpu.memory_space<vmem>>
        %dma_wait3A_210 = tpu.memref_squeeze %dma_wait3A_209 : memref<1x400x64xf32, #tpu.memory_space<vmem>> -> memref<400x64xf32, #tpu.memory_space<vmem>>
        %dma_wait3A_211 = arith.constant 0 : i32
        %dma_wait3A_212 = tpu.memref_slice %arg4[%add3A_192, %dma_wait3A_211] : memref<819200x64xf32, #tpu.memory_space<hbm>> -> memref<400x64xf32, #tpu.memory_space<hbm>>
        %dma_wait3A_213 = arith.constant 0 : i32
        %dma_wait3A_214 = tpu.memref_slice %arg4[%add3A_192, %dma_wait3A_213] : memref<819200x64xf32, #tpu.memory_space<hbm>> -> memref<400x64xf32, #tpu.memory_space<hbm>>
        %dma_wait3A_215 = arith.constant 0 : i32
        %dma_wait3A_216 = arith.constant 0 : i32
        %dma_wait3A_217 = tpu.memref_slice %arg6[%run_scoped3A_193, %dma_wait3A_215, %dma_wait3A_216] : memref<2x400x128xf32, #tpu.memory_space<vmem>> -> memref<1x400x64xf32, #tpu.memory_space<vmem>>
        %dma_wait3A_218 = tpu.memref_squeeze %dma_wait3A_217 : memref<1x400x64xf32, #tpu.memory_space<vmem>> -> memref<400x64xf32, #tpu.memory_space<vmem>>
        tpu.wait_dma2 semaphore(%run_scoped3A_194 : memref<!tpu.dma_semaphore, #tpu.memory_space<semaphore_mem>>) src(%dma_wait3A_218 : memref<400x64xf32, #tpu.memory_space<vmem>>) dst(%dma_wait3A_214 : memref<400x64xf32, #tpu.memory_space<hbm>>)
        tpu.yield
      }) : () -> ()
    }
    %scan3A_46 = arith.constant 32 : i32
    return
  }
}

module attributes {stable_mosaic.version = 14 : i64} {
  func.func @_transpose_block(%arg0: i32, %arg1: memref<64x2048xf32, #tpu.memory_space<vmem>>, %arg2: memref<2048x128xf32, #tpu.memory_space<vmem>>) attributes {dimension_semantics = [#tpu.dimension_semantics<arbitrary>], iteration_bounds = array<i64: 489>, scalar_prefetch = 0 : i64, scratch_operands = 0 : i64, tpu.core_type = #tpu.core_type<tc>, window_params = [{transform_indices = @transform_0, window_bounds = array<i64: 64, 2048>}, {transform_indices = @transform_1, window_bounds = array<i64: 2048, 128>}]} {
    %get3A = arith.constant 0 : index
    %get3A_0 = arith.constant 0 : index
    %get3A_1 = vector.load %arg1[%get3A, %get3A_0] : memref<64x2048xf32, #tpu.memory_space<vmem>>, vector<64x2048xf32>
    %transpose3A = tpu.transpose %get3A_1, [1, 0] : vector<64x2048xf32> -> vector<2048x64xf32>
    %swap3A = arith.constant 0 : index
    %swap3A_2 = arith.constant 0 : index
    %swap3A_3 = vector.load %arg2[%swap3A, %swap3A_2] : memref<2048x128xf32, #tpu.memory_space<vmem>>, vector<2048x64xf32>
    tpu.vector_store %arg2[%swap3A, %swap3A_2], %transpose3A {strides = array<i32>} : memref<2048x128xf32, #tpu.memory_space<vmem>>, vector<2048x64xf32>,
    return
  }
  func.func @transform_0(%arg0: i32) -> (i32, i32) {
    %c0_i32 = arith.constant 0 : i32
    %c0_i32_0 = arith.constant 0 : i32
    return %c0_i32, %arg0 : i32, i32
  }
  func.func @transform_1(%arg0: i32) -> (i32, i32) {
    %c0_i32 = arith.constant 0 : i32
    %c0_i32_0 = arith.constant 0 : i32
    return %arg0, %c0_i32 : i32, i32
  }
}

</mosaic_0001>

<sc_bundles>
// kernel: kernel.4.cloned.1.call-start
scs
__scs_entry_jumppad:
0x0: {  	(pc) =	sbr.rel $0x88, $3  }
0x1: {  	(tag) =	ssettag $0x0;
	lr =	simm.s32 $0x1  }
0x2: {  	[smem:$0x3F9F] =	sst lr;
	_ =	strace $0xD0000000  }
0x3: {  	_ = 	snop  }
0x4: {  	_ = 	snop  }
0x5: {  	_ = 	snop  }
0x6: {  	_ = 	snop  }
0x7: {  	_ = 	snop  }
__scs_overlays_trampoline_lowered:
0x8: {  	[smem:$0x3FAE] =	sst s0  }
0x9: {  	[smem:$0x3FAF] =	sst s1  }
0xa: {  	[smem:$0x3FB0] =	sst s2  }
0xb: {  	[smem:$0x3FB1] =	sst s3  }
0xc: {  	[smem:$0x3FB2] =	sst s4  }
0xd: {  	[smem:$0x3FB3] =	sst s5  }
0xe: {  	[smem:$0x3FB4] =	sst s6  }
0xf: {  	[smem:$0x3FB5] =	sst s7  }
0x10: {  	[smem:$0x3FB6] =	sst s8  }
0x11: {  	[smem:$0x3FB7] =	sst s9;
	s0 =	simm.s32 @!p0 $0x0  }
0x12: {  	s1 =	sld [smem:$0x3F9D];
	s0 =	simm.s32 @p0 $0x1  }
0x13: {  	[smem:$0x3FB8] =	sst s0;
	s0 =	simm.s32 @!p1 $0x0  }
0x14: {  	s2 =	sld [smem:$0x3F9C];
	s0 =	simm.s32 @p1 $0x1  }
0x15: {  	[smem:$0x3FB9] =	sst s0;
	s0 =	simm.s32 @!p2 $0x0  }
0x16: {  	s3 =	sld [smem:$0x3FDB];
	s0 =	simm.s32 @p2 $0x1  }
0x17: {  	s4 =	simm.s32 $0x1BF5;
	[smem:$0x3FBB] =	sst s0  }
0x18: {  	s0 =	sld [smem:$0x3F9E];
	_ =	swait.ge [sflag:s4], $0x0  }
0x19: {  	s7 =	sld [smem:$0x3F9F]  }
0x1a: {  	s8 =	sadd.s32 $0xFFFFE003, lr  }
0x1b: {  	s9 =	sadd.s32 $0xFFFFFEF7, lr;
	s5 =	simm.s32 $0xFFFFFFFF;
	p2 =	slt.u32 s8, $0xFFFFF086  }
0x1c: {  	p1 =	slt.u32 s9, $0xF7A;
	s5 =	simm.s32 @!p2 $0x0  }
0x1d: {  	s5 =	simm.s32 @p1 $0x1;
	p0 =	seq.s32 s7, s2  }
0x1e: {  	s7 =	smul.u32 @!p0 $0xF7A, s2;
	p2 =	seq.s32 @!p0 s5, $0x0  }
0x1f: {  	s9 =	smul.u32 $0xF7A, s1;
	s8 =	simm.s32 @!p0 $0x1BF5;
	p2 =	por !p2, p0  }
0x20: {  	[sflag:s8] =	ssyncset.s32 @!p0 $0xFFFFF086;
	s6 =	sadd.s32 @!p0 s3, s7;
	s7 =	simm.s32 @!p0 $0x108  }
0x21: {  	s3 =	sadd.s32 s3, s9;
	s6 =	sadd.s32 @!p0 $0x88, s6;
	s7 =	simm.s32 @p2 $0x1082  }
0x22: {  	[simem:s7], [sflag:s8] =	dma.local @!p0 [hbm:s6], $0xF7A  }
0x23: {  	s9 =	sor.u32 $0xD0000000, s2;
	s6 =	simm.s32 $0x108;
	_ =	swait.ge @!p0 [sflag:s8], $0x0  }
0x24: {  	s3 =	sadd.s32 $0x88, s3;
	s6 =	simm.s32 @!p1 $0x1082;
	[sflag:s4] =	ssyncset.s32 $0xFFFFF086  }
0x25: {  	[simem:s6], [sflag:s4] =	dma.local [hbm:s3], $0xF7A  }
0x26: {  	[smem:$0x3F9F] =	sst s1;
	(tag) =	ssettag s2;
	_ =	strace s9  }
0x27: {  	s1 =	sld [smem:$0x3FAF]  }
0x28: {  	s2 =	sld [smem:$0x3FB0]  }
0x29: {  	s4 =	sld [smem:$0x3FB2]  }
0x2a: {  	p0 =	seq.s32 s5, $0x0;
	s5 =	sld [smem:$0x3FB3]  }
0x2b: {  	s6 =	sld [smem:$0x3FB4]  }
0x2c: {  	s7 =	sld [smem:$0x3FB5]  }
0x2d: {  	s3 =	simm.s32 $0x108;
	s8 =	sld [smem:$0x3FB6]  }
0x2e: {  	s3 =	simm.s32 @!p0 $0x1082;
	s9 =	sld [smem:$0x3FB7]  }
0x2f: {  	lr =	sadd.s32 s0, s3;
	s0 =	sld [smem:$0x3FAE]  }
0x30: {  	s3 =	sld [smem:$0x3FB1]  }
0x31: {  	[smem:$0x3FBA] =	sst s10  }
0x32: {  	s10 =	sld [smem:$0x3FB8];
	_ =	sdelay $0x3  }
0x33: {  	p0 =	seq.s32 s10, $0x1;
	s10 =	sld [smem:$0x3FBA];
	_ =	sdelay $0x3  }
0x34: {  	[smem:$0x3FBA] =	sst s10  }
0x35: {  	s10 =	sld [smem:$0x3FB9];
	_ =	sdelay $0x3  }
0x36: {  	p1 =	seq.s32 s10, $0x1;
	s10 =	sld [smem:$0x3FBA];
	_ =	sdelay $0x3  }
0x37: {  	[smem:$0x3FBA] =	sst s10  }
0x38: {  	s10 =	sld [smem:$0x3FBB]  }
0x39: {  	_ = 	snop;
	(pc) =	sbr.ind lr, $3  }
0x3a: {  	_ = 	snop  }
0x3b: {  	_ = 	snop  }
0x3c: {  	p2 =	seq.s32 s10, $0x1;
	s10 =	sld [smem:$0x3FBA]  }
0x3d: {  	_ =	shalt  }
0x3e: {  	_ =	shalt  }
0x3f: {  	_ =	shalt  }
0x40: {  	_ =	shalt  }
0x41: {  	_ =	shalt  }
0x42: {  	_ =	shalt  }
0x43: {  	_ =	shalt  }
0x44: {  	_ =	shalt  }
0x45: {  	_ =	shalt  }
0x46: {  	_ =	shalt  }
0x47: {  	_ =	shalt  }
0x48: {  	_ =	shalt  }
0x49: {  	_ =	shalt  }
0x4a: {  	_ =	shalt  }
0x4b: {  	_ =	shalt  }
0x4c: {  	_ =	shalt  }
0x4d: {  	_ =	shalt  }
0x4e: {  	_ =	shalt  }
0x4f: {  	_ =	shalt  }
0x50: {  	_ =	shalt  }
0x51: {  	_ =	shalt  }
0x52: {  	_ =	shalt  }
0x53: {  	_ =	shalt  }
0x54: {  	_ =	shalt  }
0x55: {  	_ =	shalt  }
0x56: {  	_ =	shalt  }
0x57: {  	_ =	shalt  }
0x58: {  	_ =	shalt  }
0x59: {  	_ =	shalt  }
0x5a: {  	_ =	shalt  }
0x5b: {  	_ =	shalt  }
0x5c: {  	_ =	shalt  }
0x5d: {  	_ =	shalt  }
0x5e: {  	_ =	shalt  }
0x5f: {  	_ =	shalt  }
0x60: {  	_ =	shalt  }
0x61: {  	_ =	shalt  }
0x62: {  	_ =	shalt  }
0x63: {  	_ =	shalt  }
0x64: {  	_ =	shalt  }
0x65: {  	_ =	shalt  }
0x66: {  	_ =	shalt  }
0x67: {  	_ =	shalt  }
0x68: {  	_ =	shalt  }
0x69: {  	_ =	shalt  }
0x6a: {  	_ =	shalt  }
0x6b: {  	_ =	shalt  }
0x6c: {  	_ =	shalt  }
0x6d: {  	_ =	shalt  }
0x6e: {  	_ =	shalt  }
0x6f: {  	_ =	shalt  }
0x70: {  	_ =	shalt  }
0x71: {  	_ =	shalt  }
0x72: {  	_ =	shalt  }
0x73: {  	_ =	shalt  }
0x74: {  	_ =	shalt  }
0x75: {  	_ =	shalt  }
0x76: {  	_ =	shalt  }
0x77: {  	_ =	shalt  }
0x78: {  	_ =	shalt  }
0x79: {  	_ =	shalt  }
0x7a: {  	_ =	shalt  }
0x7b: {  	_ =	shalt  }
0x7c: {  	_ =	shalt  }
0x7d: {  	_ =	shalt  }
0x7e: {  	_ =	shalt  }
0x7f: {  	_ =	shalt  }
0x80: {  	_ =	shalt  }
0x81: {  	_ =	shalt  }
0x82: {  	_ =	shalt  }
0x83: {  	_ =	shalt  }
0x84: {  	_ =	shalt  }
0x85: {  	_ =	shalt  }
0x86: {  	_ =	shalt  }
0x87: {  	_ =	shalt  }
.Lfunc_end0:
.L_simem_size_0:
called_computation.1_lowered:
.L_overlay_start_0:
0x88: {  	s2 =	sld [smem:$0x3FD9]  }
0x89: {  	s3 =	sld [smem:$0x3FFE];
	_ =	sdelay $0x1  }
0x8a: {  	s1 =	srdreg.scid  }
0x8b: {  	s0 =	sand.u32 $0x1, s1  }
0x8c: {  	s17 =	sshll.u32 s0, $0xA;
	s2 =	sadd.s32 s3, s2  }
0x8d: {  	s2 =	sadd.s32 s2, s17  }
0x8e: {  	[smem:$0x3FC6] =	sst s2  }
0x8f: {  	_ = 	snop  }
0x90: {  	s2 =	sld [smem:$0x3FD0];
	(tm) =	ssettm $0x1  }
0x91: {  	s18 =	sld [smem:$0x3FFB];
	_ =	sdelay $0x3  }
0x92: {  	_ =	strace s18  }
0x93: {  	s3 =	sld [smem:$0x3FFC];
	_ =	sdelay $0x3  }
0x94: {  	_ =	strace s3  }
0x95: {  	s3 =	sld [smem:$0x3FFD];
	_ =	sdelay $0x3  }
0x96: {  	_ =	strace s3  }
0x97: {  	_ =	strace $0x8FFFFFFF  }
0x98: {  	s19 =	sld [smem:$0x3FDB];
	_ =	sdelay $0x1  }
0x99: {  	s4 =	simm.s32 $_scs_section_size  }
0x9a: {  	s5 =	simm.s32 $_size__tile_overlayer_lowered;
	s6 =	simm.s32 $_tile_overlayer_lowered  }
0x9b: {  	s22 =	simm.s32 $0x1BFF;
	s21 =	sshll.u32 s6, $0x1;
	s3 =	sadd.s32 s4, s19  }
0x9c: {  	s7 =	simm.s32 $0x0;
	s20 =	sshll.u32 s5, $0x1;
	s5 =	sadd.s32 s21, s3  }
0x9d: {  	[timem:s7], [sflag:s22] =	dma.local [hbm:s5], s20  }
0x9e: {  	_ =	swait.ge [sflag:s22], s20  }
0x9f: {  	s4 =	ssub.s32 $0x0, s20;
	[sflag:s22] =	ssyncset.done $0x0  }
0xa0: {  	[sflag:s22] =	ssyncadd.s32 s4;
	_ =	sdelay $0x1  }
0xa1: {  	s23 =	simm.s32 $0x1B8B  }
0xa2: {  	_ =	swait.ge [sflag:s23], $0x1  }
0xa3: {  	[sflag:s23] =	ssyncset.done $0x0  }
0xa4: {  	s25 =	simm.s32 $0x1B8E;
	s24 =	sld [smem:$0x3FFE];
	[sflag:s23] =	ssyncadd.s32 $0xFFFFFFFF  }
0xa5: {  	s26 =	simm.s32 $execute0_lowered;
	[smem:$0x3FD2] =	sst s25  }
0xa6: {  	s5 =	sshll.u32 s26, $0x1;
	_ =	strace $0x80000046;
	[dreg:$0x1] =	wrdreg $0xFFFFFFFF  }
0xa7: {  	s28 =	simm.s32 $_size_execute0_lowered;
	s3 =	sadd.s32 s3, s5;
	[dreg:$0x0] =	wrdreg $0x0  }
0xa8: {  	s5 =	sshll.u32 s28, $0x1;
	[dreg:$0x2] =	wrdreg s3  }
0xa9: {  	[dreg:$0x3] =	wrdreg s5  }
0xaa: {  	[dreg:$0x4] =	wrdreg $0xC0  }
0xab: {  	_ =	task [dreg:s7], $0x5FFFF  }
0xac: {  	[dreg:$0x1] =	wrdreg $0xFFFFFFFF  }
0xad: {  	[dreg:$0x0] =	wrdreg $0x60  }
0xae: {  	[dreg:$0x2] =	wrdreg s24  }
0xaf: {  	[dreg:$0x3] =	wrdreg s2  }
0xb0: {  	[dreg:$0x4] =	wrdreg $0x9  }
0xb1: {  	_ =	task.clear_ibuf [dreg:s7], $0x5FFFF;
	_ =	strace $0x90000046  }
0xb2: {  	s29 =	simm.s32 $0x9;
	_ =	strace $0x80000048  }
0xb3: {  	_ =	swait.ge [sflag:s29], $0x1  }
0xb4: {  	[sflag:s29] =	ssyncadd.s32 $0xFFFFFFFF  }
0xb5: {  	_ =	strace $0x90000048  }
0xb6: {  	_ =	sfence  }
0xb7: {  	s30 =	sld [smem:$0x0];
	_ =	sdelay $0x2  }
0xb8: {  	s31 =	sshll.u32 s1, $0xD;
	s1 =	sshrl.u32 s1, $0x2  }
0xb9: {  	s3 =	sand.u32 $0x4000, s31;
	s1 =	sadd.s32 s1, s30  }
0xba: {  	s0 =	sor.u32 s3, s0;
	s1 =	sshll.u32 s1, $0x11  }
0xbb: {  	s0 =	sor.u32 s1, s0  }
0xbc: {  	s0 =	sadd.s32 $0x8F2B, s0  }
0xbd: {  	[sflag:s0] =	ssyncadd.remote.s32 $0x1  }
0xbe: {  	_ =	sfence.sel $0xFFFF  }
0xbf: {  	[dreg:$0x0] =	wrdreg $0xFFFFFFFF;
	(pc) =	sbr.abs _section_cstart, $3  }
0xc0: {  	[dreg:$0x1] =	wrdreg $0xFFFFFFFF  }
0xc1: {  	_ =	task.clear_ibuf [dreg:s7], $0x2FFFF;
	_ =	strace $0x9FFFFFFF  }
0xc2: {  	(tm) =	ssettm $0x7FFFFFFF  }
0xc3: {  	_ =	shalt  }
tec
execute0_lowered:
.L_overlay_start_1:
0x0: {  	(tag) =	ssettag $0x1  }
0x1: {  	s1 =	srdreg.scid;
	s6 =	rddreg [dreg:$0x0]  }
0x2: {  	s0 =	stileid.u32;
	s2 =	rddreg [dreg:$0x1];
	s4 =	simm.s32 $0x0  }
0x3: {  	s9 =	simm.s32 $0x80;
	s10 =	simm.s32 $0x6400;
	s11 =	simm.s32 $0xA400  }
0x4: {  	s12 =	simm.s32 $0x100;
	s13 =	simm.s32 $0xE400;
	s14 =	simm.s32 $0x10  }
0x5: {  	s15 =	simm.s32 $0x180;
	s16 =	simm.s32 $0x12400;
	s17 =	simm.s32 $0x12C00  }
0x6: {  	s18 =	simm.s32 $0x16C00;
	s5 =	sand.u32 $0x1, s1;
	s31 =	sshll.u32 s0, $0x1  }
0x7: {  	s19 =	simm.s32 $0x1AC00;
	s20 =	simm.s32 $0x1EC00;
	s1 =	sor.u32 s5, s31  }
0x8: {  	s21 =	simm.s32 $0x1;
	[smem:$0x7FF] =	sst s4;
	s3 =	smul.u32 $0x6400, s1  }
0x9: {  	s22 =	simm.s32 $0x0;
	s5 =	ssub.s32 $0x2, s5;
	s1 =	rddreg [dreg:$0x2]  }
0xa: {  	s8 =	sshrl.u32 s5, $0x1;
	_ =	strace $0x80000047;
	s7 =	sshrl.u32 s3, $0x3  }
0xb: {  	s8 =	ssub.s32 s5, s8;
	s5 =	sadd.s32 $0x19800, s6;
	s7 =	sadd.s32 s7, s6  }
0xc: {  	s6 =	sadd.s32 $0x800, s7;
	s7 =	smax.u32 s8, $0x1;
	s8 =	simm.s32 $0x2  }
.LBB2_1:
0xd: {  	[tilespmem:s4], [sflag:$0x2] =	stream.linear.gather [hbm4b:s6+s4], $0x6400, $0x38;
	[tilespmem:$0x1F400] =	vst v63  }
0xe: {  	_ =	swait.ge [sflag:s8], $0x6400  }
0xf: {  	[sflag:s8] =	ssyncset.done $0x0  }
0x10: {  	[sflag:s8] =	ssyncadd.s32 $0xFFFF9C00  }
0x11: {  	[tilespmem:s10], [sflag:$0x1] =	stream.indirect.gather [hbm4b:s5+s9], $0x80, s4, s9, $0xb8;
	[tilespmem:$0x1F400] =	vst v63  }
0x12: {  	_ = 	snop  }
0x13: {  	[tilespmem:s11], [sflag:$0x1] =	stream.indirect.gather [hbm4b:s5+s9], $0x80, s9, s9, $0xb8;
	[tilespmem:$0x1F400] =	vst v63  }
0x14: {  	_ = 	snop  }
0x15: {  	[tilespmem:s13], [sflag:$0x1] =	stream.indirect.gather [hbm4b:s5+s9], $0x80, s12, s9, $0xb8;
	[tilespmem:$0x1F400] =	vst v63  }
0x16: {  	s23 =	simm.s32 $0x0  }
0x17: {  	[tilespmem:s16], [sflag:$0x1] =	stream.indirect.gather [hbm4b:s5+s14], $0x80, s15, s14, $0xb8;
	[tilespmem:$0x1F400] =	vst v63  }
.LBB2_2:
0x18: {  	s25 =	smul.u32 $0x320, s23;
	_ =	sdelay $0x1  }
0x19: {  	s24 =	sadd.s32 $0x190, s25  }
0x1a: {  	[tilespmem:s17], [sflag:$0x1] =	stream.indirect.gather [hbm4b:s5+s9], $0x80, s24, s9, $0xb8;
	[tilespmem:$0x1F400] =	vst v63  }
0x1b: {  	s26 =	sadd.s32 $0x210, s25  }
0x1c: {  	[tilespmem:s18], [sflag:$0x1] =	stream.indirect.gather [hbm4b:s5+s9], $0x80, s26, s9, $0xb8;
	[tilespmem:$0x1F400] =	vst v63  }
0x1d: {  	s26 =	sadd.s32 $0x290, s25  }
0x1e: {  	[tilespmem:s19], [sflag:$0x1] =	stream.indirect.gather [hbm4b:s5+s9], $0x80, s26, s9, $0xb8;
	[tilespmem:$0x1F400] =	vst v63  }
0x1f: {  	s26 =	sadd.s32 $0x310, s25  }
0x20: {  	[tilespmem:s20], [sflag:$0x1] =	stream.indirect.gather [hbm4b:s5+s14], $0x80, s26, s14, $0xb8;
	[tilespmem:$0x1F400] =	vst v63  }
0x21: {  	_ =	swait.ge [sflag:s21], $0x4000  }
0x22: {  	[sflag:s21] =	ssyncset.done $0x0  }
0x23: {  	[sflag:s21] =	ssyncadd.s32 $0xFFFFC000  }
0x24: {  	_ =	swait.ge [sflag:s21], $0x4000  }
0x25: {  	[sflag:s21] =	ssyncset.done $0x0  }
0x26: {  	[sflag:s21] =	ssyncadd.s32 $0xFFFFC000  }
0x27: {  	_ =	swait.ge [sflag:s21], $0x4000  }
0x28: {  	[sflag:s21] =	ssyncset.done $0x0  }
0x29: {  	s26 =	sadd.s32 s3, s25;
	[sflag:s21] =	ssyncadd.s32 $0xFFFFC000  }
0x2a: {  	s28 =	simm.s32 $0x6400;
	s26 =	sshll.u32 s26, $0x3;
	_ =	swait.ge [sflag:s21], $0x800  }
0x2b: {  	s29 =	simm.s32 $0x8;
	s26 =	sadd.s32 s2, s26;
	[sflag:s21] =	ssyncset.done $0x0  }
0x2c: {  	s30 =	simm.s32 $0x6480;
	s31 =	sadd.s32 $0x0, s26;
	[sflag:s21] =	ssyncadd.s32 $0xFFFFF800  }
.LBB2_3:
0x2d: {  	[hbm4b:s31+s4] =	stream.linear.scatter [tilespmem:s28], [sflag:$0x2], $0x40, $0x38;
	[tilespmem:$0x1F400] =	vst v63  }
0x2e: {  	s31 =	smov.u32 s29;
	s28 =	smov.u32 s30;
	p0 =	sne.s32 s29, $0xC78  }
.Ltmp0:
0x2f: {  	s29 =	sadd.s32 $0x8, s29;
	(pc) =	sbr.rel @p0 .LBB2_3-.Ltmp0, $2  }
0x30: {  	_ =	sdelay $0x2  }
0x31: {  	s30 =	sadd.s32 $0x80, s30;
	s31 =	sadd.s32 s31, s26  }
0x32: {  	[hbm4b:s31+s4] =	stream.linear.scatter [tilespmem:s28], [sflag:$0x2], $0x40, $0x38;
	[tilespmem:$0x1F400] =	vst v63  }
0x33: {  	p0 =	seq.s32 s23, $0x1F;
	_ =	swait.ge [sflag:s8], $0x6400  }
0x34: {  	s26 =	sadd.s32 @!p0 $0x320, s25;
	[sflag:s8] =	ssyncset.done $0x0  }
0x35: {  	s28 =	simm.s32 @!p0 $0x80;
	s29 =	simm.s32 @!p0 $0x6400;
	[sflag:s8] =	ssyncadd.s32 $0xFFFF9C00  }
0x36: {  	[tilespmem:s29], [sflag:$0x1] =	stream.indirect.gather @!p0 [hbm4b:s5+s28], $0x80, s26, s28, $0xb8;
	[tilespmem:$0x1F400] =	vst v63  }
0x37: {  	s26 =	sadd.s32 @!p0 $0x3A0, s25;
	s29 =	simm.s32 @!p0 $0xA400  }
0x38: {  	[tilespmem:s29], [sflag:$0x1] =	stream.indirect.gather @!p0 [hbm4b:s5+s28], $0x80, s26, s28, $0xb8;
	[tilespmem:$0x1F400] =	vst v63  }
0x39: {  	s26 =	sadd.s32 @!p0 $0x420, s25;
	s29 =	simm.s32 @!p0 $0xE400  }
0x3a: {  	[tilespmem:s29], [sflag:$0x1] =	stream.indirect.gather @!p0 [hbm4b:s5+s28], $0x80, s26, s28, $0xb8;
	[tilespmem:$0x1F400] =	vst v63  }
0x3b: {  	s25 =	sadd.s32 @!p0 $0x4A0, s25;
	s26 =	simm.s32 @!p0 $0x10;
	s28 =	simm.s32 @!p0 $0x12400  }
0x3c: {  	[tilespmem:s28], [sflag:$0x1] =	stream.indirect.gather @!p0 [hbm4b:s5+s26], $0x80, s25, s26, $0xb8;
	[tilespmem:$0x1F400] =	vst v63  }
0x3d: {  	_ =	swait.ge [sflag:s21], $0x4000  }
0x3e: {  	[sflag:s21] =	ssyncset.done $0x0  }
0x3f: {  	[sflag:s21] =	ssyncadd.s32 $0xFFFFC000  }
0x40: {  	_ =	swait.ge [sflag:s21], $0x4000  }
0x41: {  	[sflag:s21] =	ssyncset.done $0x0  }
0x42: {  	[sflag:s21] =	ssyncadd.s32 $0xFFFFC000  }
0x43: {  	s24 =	sadd.s32 s3, s24;
	_ =	swait.ge [sflag:s21], $0x4000  }
0x44: {  	s24 =	sshll.u32 s24, $0x3;
	[sflag:s21] =	ssyncset.done $0x0  }
0x45: {  	s24 =	sand.u32 $0x1FFFFF80, s24;
	[sflag:s21] =	ssyncadd.s32 $0xFFFFC000  }
0x46: {  	s24 =	sadd.s32 s2, s24;
	_ =	swait.ge [sflag:s21], $0x800  }
0x47: {  	s29 =	sadd.s32 $0x0, s24;
	s25 =	simm.s32 $0x12C00;
	[sflag:s21] =	ssyncset.done $0x0  }
0x48: {  	s26 =	simm.s32 $0x8;
	s28 =	simm.s32 $0x12C80;
	[sflag:s21] =	ssyncadd.s32 $0xFFFFF800  }
.LBB2_5:
0x49: {  	[hbm4b:s29+s4] =	stream.linear.scatter [tilespmem:s25], [sflag:$0x2], $0x40, $0x38;
	[tilespmem:$0x1F400] =	vst v63  }
0x4a: {  	s29 =	smov.u32 s26;
	s25 =	smov.u32 s28;
	p0 =	sne.s32 s26, $0xC78  }
.Ltmp1:
0x4b: {  	s26 =	sadd.s32 $0x8, s26;
	(pc) =	sbr.rel @p0 .LBB2_5-.Ltmp1, $2  }
0x4c: {  	_ =	sdelay $0x2  }
0x4d: {  	s28 =	sadd.s32 $0x80, s28;
	s29 =	sadd.s32 s29, s24  }
0x4e: {  	s23 =	sadd.s32 $0x1, s23  }
0x4f: {  	p0 =	sne.s32 s23, $0x20  }
.Ltmp2:
0x50: {  	_ = 	snop;
	(pc) =	sbr.rel @p0 .LBB2_2-.Ltmp2, $4  }
0x51: {  	[hbm4b:s29+s4] =	stream.linear.scatter [tilespmem:s25], [sflag:$0x2], $0x40, $0x38;
	[tilespmem:$0x1F400] =	vst v63  }
0x52: {  	_ =	swait.ge [sflag:s8], $0x6400  }
0x53: {  	[sflag:s8] =	ssyncset.done $0x0  }
0x54: {  	[sflag:s8] =	ssyncadd.s32 $0xFFFF9C00  }
0x55: {  	s22 =	sadd.s32 $0x1, s22  }
0x56: {  	p0 =	sne.s32 s22, s7  }
.Ltmp3:
0x57: {  	_ = 	snop;
	(pc) =	sbr.rel @p0 .LBB2_1-.Ltmp3, $1  }
0x58: {  	_ =	sdelay $0x3  }
0x59: {  	_ =	sfence.sel $0x180000  }
0x5a: {  	[bflag:$0x0] =	sbarrier.arrive $0xFFFF  }
0x5b: {  	p0 =	sne.s32 s0, $0x0;
	_ =	strace $0x90000047  }
0x5c: {  	s0 =	sadd.s32 @!p0 $0x100000, s1;
	[bflag:$0x2] =	sbarrier.arrive $0xFFFF  }
0x5d: {  	[sflag:s0] =	ssyncadd.tile.s32 @!p0 $0x1;
	_ =	shalt  }
.Lfunc_end2:
_tile_overlayer_lowered:
.L_overlay_start_2:
0x5e: {  	(tag) =	ssettag $0x2  }
0x5f: {  	s0 =	rddreg [dreg:$0x0];
	s2 =	stileid.u32  }
0x60: {  	s1 =	rddreg [dreg:$0x1];
	p0 =	sne.s32 s2, $0x0  }
0x61: {  	s3 =	rddreg [dreg:$0x2];
	[bflag:$0x3] =	sbarrier.arrive $0xFFFF;
	s2 =	simm.s32 @!p0 $0x1C02  }
0x62: {  	[timem:s3], [sflag:s2] =	dma.local @!p0 [hbm:s0], s1  }
0x63: {  	s0 =	simm.s32 @!p0 $0x2  }
0x64: {  	_ =	swait.ge @!p0 [sflag:s0], s1  }
0x65: {  	s1 =	ssub.s32 @!p0 $0x0, s1;
	[sflag:s0] =	ssyncset.done @!p0 $0x0  }
0x66: {  	[sflag:s0] =	ssyncadd.s32 @!p0 s1  }
0x67: {  	[bflag:$0x3] =	sbarrier.arrive $0xFFFF  }
0x68: {  	_ =	shalt  }

// kernel: sparse-core-data-format-call.cloned.1.call-start
scs
called_computation_lowered:
.L_overlay_start_0:
0x0: {  	s2 =	sld [smem:$0x3FD9]  }
0x1: {  	s3 =	sld [smem:$0x3FFE];
	_ =	sdelay $0x1  }
0x2: {  	s1 =	srdreg.scid  }
0x3: {  	s0 =	sand.u32 $0x1, s1  }
0x4: {  	s18 =	sshll.u32 s0, $0xA;
	s2 =	sadd.s32 s3, s2  }
0x5: {  	s2 =	sadd.s32 s2, s18  }
0x6: {  	[smem:$0x3FC6] =	sst s2  }
0x7: {  	_ = 	snop  }
0x8: {  	s2 =	sld [smem:$0x3FD0];
	(tm) =	ssettm $0x1  }
0x9: {  	s19 =	sld [smem:$0x3FFB];
	_ =	sdelay $0x3  }
0xa: {  	_ =	strace s19  }
0xb: {  	s3 =	sld [smem:$0x3FFC];
	_ =	sdelay $0x3  }
0xc: {  	_ =	strace s3  }
0xd: {  	s3 =	sld [smem:$0x3FFD];
	_ =	sdelay $0x3  }
0xe: {  	_ =	strace s3  }
0xf: {  	_ =	strace $0x8FFFFFFF  }
0x10: {  	s20 =	sld [smem:$0x3FDB];
	_ =	sdelay $0x1  }
0x11: {  	s4 =	simm.s32 $_scs_section_size  }
0x12: {  	s5 =	simm.s32 $_size__tile_overlayer_lowered;
	s6 =	simm.s32 $_tile_overlayer_lowered  }
0x13: {  	s23 =	simm.s32 $0x1BFF;
	s22 =	sshll.u32 s6, $0x1;
	s3 =	sadd.s32 s4, s20  }
0x14: {  	s7 =	simm.s32 $0x0;
	s21 =	sshll.u32 s5, $0x1;
	s5 =	sadd.s32 s22, s3  }
0x15: {  	[timem:s7], [sflag:s23] =	dma.local [hbm:s5], s21  }
0x16: {  	_ =	swait.ge [sflag:s23], s21  }
0x17: {  	s4 =	ssub.s32 $0x0, s21;
	[sflag:s23] =	ssyncset.done $0x0  }
0x18: {  	[sflag:s23] =	ssyncadd.s32 s4;
	_ =	sdelay $0x1  }
0x19: {  	s24 =	simm.s32 $0x1B8B  }
0x1a: {  	_ =	swait.ge [sflag:s24], $0x1  }
0x1b: {  	[sflag:s24] =	ssyncset.done $0x0  }
0x1c: {  	s26 =	simm.s32 $0x1B8E;
	s25 =	sld [smem:$0x3FFE];
	[sflag:s24] =	ssyncadd.s32 $0xFFFFFFFF  }
0x1d: {  	s27 =	simm.s32 $execute0_lowered;
	[smem:$0x3FD2] =	sst s26  }
0x1e: {  	s5 =	sshll.u32 s27, $0x1;
	_ =	strace $0x80000049;
	[dreg:$0x1] =	wrdreg $0xFFFFFFFF  }
0x1f: {  	s28 =	simm.s32 $_size_execute0_lowered;
	s3 =	sadd.s32 s3, s5;
	[dreg:$0x0] =	wrdreg $0x0  }
0x20: {  	s5 =	sshll.u32 s28, $0x1;
	[dreg:$0x2] =	wrdreg s3  }
0x21: {  	[dreg:$0x3] =	wrdreg s5  }
0x22: {  	[dreg:$0x4] =	wrdreg $0xC0  }
0x23: {  	_ =	task [dreg:s7], $0x5FFFF  }
0x24: {  	[dreg:$0x1] =	wrdreg $0xFFFFFFFF  }
0x25: {  	[dreg:$0x0] =	wrdreg $0x60  }
0x26: {  	[dreg:$0x2] =	wrdreg s25  }
0x27: {  	[dreg:$0x3] =	wrdreg s2  }
0x28: {  	[dreg:$0x4] =	wrdreg $0x9  }
0x29: {  	_ =	task.clear_ibuf [dreg:s7], $0x5FFFF;
	_ =	strace $0x90000049  }
0x2a: {  	s29 =	simm.s32 $0x9;
	_ =	strace $0x8000004B  }
0x2b: {  	_ =	swait.ge [sflag:s29], $0x1  }
0x2c: {  	[sflag:s29] =	ssyncadd.s32 $0xFFFFFFFF  }
0x2d: {  	_ =	strace $0x9000004B  }
0x2e: {  	_ =	sfence  }
0x2f: {  	s30 =	sld [smem:$0x0];
	_ =	sdelay $0x2  }
0x30: {  	s31 =	sshll.u32 s1, $0xD;
	s1 =	sshrl.u32 s1, $0x2  }
0x31: {  	s3 =	sand.u32 $0x4000, s31;
	s1 =	sadd.s32 s1, s30  }
0x32: {  	s0 =	sor.u32 s3, s0;
	s1 =	sshll.u32 s1, $0x11  }
0x33: {  	s0 =	sor.u32 s1, s0  }
0x34: {  	s0 =	sadd.s32 $0x8F2B, s0  }
0x35: {  	[sflag:s0] =	ssyncadd.remote.s32 $0x1  }
0x36: {  	_ =	sfence.sel $0xFFFF  }
0x37: {  	[dreg:$0x0] =	wrdreg $0xFFFFFFFF;
	(pc) =	sbr.abs _section_cstart, $3  }
0x38: {  	[dreg:$0x1] =	wrdreg $0xFFFFFFFF  }
0x39: {  	_ =	task.clear_ibuf [dreg:s7], $0x2FFFF;
	_ =	strace $0x9FFFFFFF  }
0x3a: {  	(tm) =	ssettm $0x7FFFFFFF  }
0x3b: {  	_ =	shalt  }
tec
execute0_lowered:
.L_overlay_start_1:
0x0: {  	(tag) =	ssettag $0x1  }
0x1: {  	s0 =	srdreg.scid  }
0x2: {  	s1 =	sshll.u32 s0, $0x4  }
0x3: {  	s0 =	stileid.u32;
	s1 =	sand.u32 $0x10, s1  }
0x4: {  	s1 =	sor.u32 s0, s1  }
0x5: {  	s6 =	rddreg [dreg:$0x0];
	s4 =	simm.s32 $0x1;
	s2 =	sshll.u32 s1, $0x7  }
0x6: {  	s7 =	simm.s32 $0x2;
	s12 =	simm.s32 $0x0;
	s1 =	ssub.s32 $0x1000, s2  }
0x7: {  	s8 =	simm.s32 $0x8000;
	s13 =	simm.s32 $0x0;
	s3 =	sand.u32 $0xF80, s1  }
0x8: {  	s9 =	simm.s32 $0x0;
	s5 =	sshrl.u32 s1, $0xC;
	p0 =	sne.s32 s3, $0x0  }
.Ltmp0:
0x9: {  	s1 =	rddreg [dreg:$0x2];
	s4 =	simm.s32 @!p0 $0x0;
	(pc) =	sbr.rel .LBB1_1-.Ltmp0, $4  }
0xa: {  	s11 =	simm.s32 $0x0;
	s3 =	rddreg [dreg:$0x1];
	s5 =	sadd.s32 s4, s5  }
0xb: {  	_ =	strace $0x8000004A;
	s4 =	simm.s32 $0x1;
	s5 =	smul.u32 $0xC8, s5  }
0xc: {  	s6 =	sadd.s32 $0x800, s6;
	s10 =	smov.u32 s2;
	[sflag:s4] =	ssyncpa.u1 $0x0  }
0xd: {  	p0 =	por $0x0, $0x0;
	[sflag:s7] =	ssyncpa.u1 $0x0;
	s7 =	sor.u32 $0x1, s5  }
.LBB1_4:
0xe: {  	s16 =	sshll.u32 s13, $0x3;
	s17 =	sand.u32 $0x78, s13  }
0xf: {  	s30 =	sand.u32 $0x7E00, s13;
	s12 =	sshll.u32 s12, $0xF;
	s16 =	sand.u32 $0xC00, s16  }
0x10: {  	[tilespmem:s15+$0x810 ss:$0x81] =	vst.msk $0xffff, v2;
	s31 =	sand.u32 $0x7, s13;
	s16 =	sor.u32 s17, s16;
	s17 =	sadd.s32 s3, s30  }
0x11: {  	[tilespmem:s15+$0x1020 ss:$0x81] =	vst.msk $0xffff, v0;
	s13 =	sshll.u32 s31, $0x12;
	s12 =	sadd.s32 s12, s17;
	s16 =	sshrl.u32 s16, $0x3  }
0x12: {  	[tilespmem:s15+$0x0 ss:$0x81] =	vst.msk $0xffff, v1;
	s13 =	sor.u32 $0x400, s13;
	s12 =	sadd.s32 s16, s12  }
0x13: {  	[hbm4b:s12+s13] =	stream.strided.scatter [tilespmem:s14], [sflag:$0x2], $0x2000, s8, s13, $0x20;
	[tilespmem:$0x8080] =	vst v63  }
.LBB1_5:
0x14: {  	s14 =	sadd.s32 $0x1, s9  }
0x15: {  	s12 =	sadd.s32 $0x1000, s10;
	s16 =	smov.u32 s10;
	p2 =	sgt.s32 s14, $0xC7  }
0x16: {  	s16 =	smov.u32 @p2 s12  }
0x17: {  	s14 =	simm.s32 @p2 $0x0;
	p2 =	sgt.s32 s16, $0xFFF  }
0x18: {  	s16 =	smov.u32 @p2 s2;
	p2 =	sne.s32 s11, s7  }
.Ltmp1:
0x19: {  	p1 =	slt.u32 s11, $0x2;
	(pc) =	sbr.rel @!p2 .LBB1_6-.Ltmp1, $4  }
0x1a: {  	s15 =	simm.s32 @!p1 $0x2  }
0x1b: {  	s13 =	smov.u32 s10;
	p0 =	por !p0, !p0;
	_ =	swait.ge @!p1 [sflag:s15], $0x2000  }
0x1c: {  	s12 =	smov.u32 s9;
	[sflag:s15] =	ssyncset.done @!p1 $0x0;
	s9 =	smov.u32 s14  }
0x1d: {  	s11 =	sadd.s32 $0x1, s11;
	[sflag:s15] =	ssyncadd.s32 @!p1 $0xFFFFE000;
	s10 =	smov.u32 s16  }
.LBB1_1:
0x1e: {  	p1 =	sge.u32 s11, s5  }
0x1f: {  	s14 =	sand.u32 @!p1 $0x1FFFFFF, s9  }
0x20: {  	s15 =	smulhi.u32 @!p1 $0x147AE15, s14;
	_ =	sdelay $0x1  }
0x21: {  	s15 =	smul.u32 @!p1 $0xC8, s15  }
0x22: {  	s16 =	sxor.u32 @!p1 $0xFFFFFFFF, s11;
	s17 =	smul.u32 @!p1 $0xC80, s10  }
0x23: {  	s31 =	sadd.s32 $0xFFFFFFFF, s11;
	s16 =	sshll.u32 @!p1 s16, $0xD;
	s14 =	ssub.s32 @!p1 s14, s15  }
0x24: {  	s15 =	sand.u32 @!p1 $0x2000, s16;
	s16 =	sadd.s32 @!p1 s6, s17;
	s14 =	sshll.u32 @!p1 s14, $0x4  }
0x25: {  	s17 =	simm.s32 @!p1 $0x6400;
	s14 =	sadd.s32 @!p1 s14, s16;
	s16 =	simm.s32 @!p1 $0x40  }
0x26: {  	[tilespmem:s15], [sflag:$0x1] =	stream.strided.gather @!p1 [hbm4b:s14+s16], $0x2000, s17, s16, $0x38;
	[tilespmem:$0x8080] =	vst v63  }
0x27: {  	p1 =	sge.u32 s31, s5  }
.Ltmp2:
0x28: {  	_ = 	snop;
	(pc) =	sbr.rel @p1 .LBB1_5-.Ltmp2, $1  }
0x29: {  	_ =	sdelay $0x3  }
0x2a: {  	s14 =	simm.s32 $0x1  }
0x2b: {  	_ =	swait.ge [sflag:s4], $0x2000;
	s14 =	simm.s32 @!p0 $0x0  }
0x2c: {  	[sflag:s4] =	ssyncset.done $0x0;
	s15 =	sshll.u32 s14, $0xD  }
0x2d: {  	[sflag:s4] =	ssyncadd.s32 $0xFFFFE000;
	s18 =	sor.u32 $0x20, s15  }
0x2e: {  	s14 =	smul.u32 $0x8100, s14;
	v3 =	vld [tilespmem:s18+$0x10]  }
0x2f: {  	s30 =	sand.u32 $0x1, s11;
	v2 =	vld [tilespmem:s18+$0xFFFFFFF0]  }
0x30: {  	s15 =	smul.u32 $0x8100, s30;
	s14 =	sshrl.u32 s14, $0x2;
	v0 =	vld [tilespmem:s18+$0x0]  }
0x31: {  	v1 =	vld [tilespmem:s18+$0xFFFFFFE0];
	s16 =	sor.u32 $0x4000, s14  }
0x32: {  	s31 =	sshrl.u32 s15, $0x2;
	s15 =	sadd.s32 $0x0, s16  }
0x33: {  	s17 =	simm.s32 $0x4;
	s18 =	sadd.s32 $0x40, s18;
	s14 =	sor.u32 $0x4000, s31;
	[tilespmem:s15+$0x1830 ss:$0x81] =	vst.msk $0xffff, v3  }
.LBB1_3:
0x34: {  	v3 =	vld [tilespmem:s18+$0x10];
	p1 =	sne.s32 s17, $0x1FC;
	[tilespmem:s15+$0x810 ss:$0x81] =	vst.msk $0xffff, v2;
	s19 =	smov.u32 s17;
	s17 =	sadd.s32 $0x4, s17  }
.Ltmp3:
0x35: {  	v2 =	vld [tilespmem:s18+$0xFFFFFFF0];
	[tilespmem:s15+$0x1020 ss:$0x81] =	vst.msk $0xffff, v0;
	(pc) =	sbr.rel @p1 .LBB1_3-.Ltmp3, $4  }
0x36: {  	v0 =	vld [tilespmem:s18+$0x0];
	[tilespmem:s15+$0x0 ss:$0x81] =	vst.msk $0xffff, v1  }
0x37: {  	s15 =	sshra.s32 s19, $0x2;
	v1 =	vld [tilespmem:s18+$0xFFFFFFE0]  }
0x38: {  	s15 =	sadd.s32 s15, s16  }
0x39: {  	s18 =	sadd.s32 $0x40, s18;
	[tilespmem:s15+$0x1830 ss:$0x81] =	vst.msk $0xffff, v3  }
.Ltmp4:
0x3a: {  	_ = 	snop;
	(pc) =	sbr.rel .LBB1_4-.Ltmp4, $1  }
0x3b: {  	_ =	sdelay $0x3  }
.LBB1_6:
0x3c: {  	_ =	sfence.sel $0x180000  }
0x3d: {  	s2 =	simm.s32 $0x1;
	[bflag:$0x0] =	sbarrier.arrive $0xFFFF  }
0x3e: {  	s31 =	simm.s32 $0x2;
	[sflag:s2] =	ssyncpa.u1 $0x1  }
0x3f: {  	[sflag:s31] =	ssyncpa.u1 $0x1  }
0x40: {  	p0 =	sne.s32 s0, $0x0;
	_ =	strace $0x9000004A  }
0x41: {  	s0 =	sadd.s32 @!p0 $0x100000, s1;
	[bflag:$0x2] =	sbarrier.arrive $0xFFFF  }
0x42: {  	[sflag:s0] =	ssyncadd.tile.s32 @!p0 $0x1;
	_ =	shalt  }
.Lfunc_end1:
_tile_overlayer_lowered:
.L_overlay_start_2:
0x43: {  	(tag) =	ssettag $0x2  }
0x44: {  	s0 =	rddreg [dreg:$0x0];
	s2 =	stileid.u32  }
0x45: {  	s1 =	rddreg [dreg:$0x1];
	p0 =	sne.s32 s2, $0x0  }
0x46: {  	s3 =	rddreg [dreg:$0x2];
	[bflag:$0x3] =	sbarrier.arrive $0xFFFF;
	s2 =	simm.s32 @!p0 $0x1C01  }
0x47: {  	[timem:s3], [sflag:s2] =	dma.local @!p0 [hbm:s0], s1  }
0x48: {  	s0 =	simm.s32 @!p0 $0x1  }
0x49: {  	_ =	swait.ge @!p0 [sflag:s0], s1  }
0x4a: {  	s1 =	ssub.s32 @!p0 $0x0, s1;
	[sflag:s0] =	ssyncset.done @!p0 $0x0  }
0x4b: {  	[sflag:s0] =	ssyncadd.s32 @!p0 s1  }
0x4c: {  	[bflag:$0x3] =	sbarrier.arrive $0xFFFF  }
0x4d: {  	_ =	shalt  }

</sc_bundles>
